<compile_context>
chip_gen: v7x
topology: tpu7x:2x2x1
jax: 0.10.2.dev20260603
libtpu: 0.0.44.dev20260713+nightly
codegen_flags: <defaults>
</compile_context>

<pallas_src>
import functools

import jax
import jax.numpy as jnp
from jax import lax
from jax.experimental import pallas as pl
from jax.experimental.pallas import tpu as pltpu
from jax.experimental.pallas import tpu_sc as plsc

N_NODES = 10000
N_EDGES = 640000
IN_DIM = 64
D = 2 * IN_DIM
HID = 128
N_GRAPHS = 16

NC = 2
NS = 16
NW = NC * NS

E_PER_SUB = N_EDGES // NW
CHUNK = 128
N_MAIN = E_PER_SUB // CHUNK
TAIL = E_PER_SUB - N_MAIN * CHUNK
UNROLL = 4

ROWS_PER_SUB = 624
ROWS_TAIL = N_NODES - ROWS_PER_SUB * NS
TAIL_BASE = ROWS_PER_SUB * NS

DEG_W = 16
N_PAD = 10240
DEG_ROWS = N_PAD // NS

_MESH = plsc.VectorSubcoreMesh(core_axis_name="c", subcore_axis_name="s")


def _sc_feature_sums(x, idx_main, idx_tail, zrows, zdeg, ones_chunk):

    @functools.partial(
        pl.kernel,
        out_type=(
            jax.ShapeDtypeStruct((NC, N_NODES, D), jnp.float32),
            jax.ShapeDtypeStruct((NC, N_PAD, DEG_W), jnp.float32),
        ),
        mesh=_MESH,
        scratch_types=[
            pltpu.VMEM((2, CHUNK), jnp.int32),
            pltpu.VMEM((2, CHUNK), jnp.int32),
            pltpu.VMEM((2, CHUNK), jnp.int32),
            pltpu.VMEM((2, CHUNK), jnp.int32),
            pltpu.VMEM((CHUNK, D), jnp.float32),
            pltpu.VMEM((CHUNK, D), jnp.float32),
            pltpu.VMEM((2, TAIL), jnp.int32),
            pltpu.VMEM((TAIL, D), jnp.float32),
            pltpu.VMEM((CHUNK, DEG_W), jnp.float32),
            pltpu.VMEM_SHARED((N_NODES, D), jnp.float32),
            pltpu.VMEM_SHARED((N_PAD, DEG_W), jnp.float32),
            pltpu.SemaphoreType.DMA,
            pltpu.SemaphoreType.DMA,
            pltpu.SemaphoreType.DMA,
            pltpu.SemaphoreType.DMA,
            pltpu.SemaphoreType.DMA,
            pltpu.SemaphoreType.DMA,
            pltpu.SemaphoreType.DMA,
            pltpu.SemaphoreType.DMA,
            pltpu.SemaphoreType.DMA,
            pltpu.SemaphoreType.DMA,
        ],
        compiler_params=pltpu.CompilerParams(use_tc_tiling_on_sc=False),
    )
    def k(x_hbm, im_hbm, it_hbm, zr_hbm, zd_hbm, ones_hbm, acc_out, deg_out,
          ibuf0, ibuf1, ibuf2, ibuf3, rows0, rows1, tbuf, trows, ones_v,
          acc_sh, deg_sh,
          si0, si1, si2, si3, sg0, sg1, ss0, ss1, sd0, sd1):
        cid = lax.axis_index("c")
        sid = lax.axis_index("s")
        wid = cid * NS + sid
        base = sid * ROWS_PER_SUB
        dbase = sid * DEG_ROWS
        ibuf = (ibuf0, ibuf1, ibuf2, ibuf3)
        rows = (rows0, rows1)
        si = (si0, si1, si2, si3)
        sg = (sg0, sg1)
        ss = (ss0, ss1)
        sd = (sd0, sd1)

        pltpu.sync_copy(zr_hbm.at[pl.ds(base, ROWS_PER_SUB)],
                        acc_sh.at[pl.ds(base, ROWS_PER_SUB)])

        @pl.when(sid == NS - 1)
        def _():
            pltpu.sync_copy(zr_hbm.at[pl.ds(TAIL_BASE, ROWS_TAIL)],
                            acc_sh.at[pl.ds(TAIL_BASE, ROWS_TAIL)])

        pltpu.sync_copy(zd_hbm.at[pl.ds(dbase, DEG_ROWS)],
                        deg_sh.at[pl.ds(dbase, DEG_ROWS)])
        pltpu.sync_copy(ones_hbm, ones_v)
        plsc.subcore_barrier()

        def idx_start(k_, t):
            pltpu.async_copy(im_hbm.at[wid, k_], ibuf[t], si[t])

        def idx_wait(t):
            pltpu.make_async_copy(im_hbm.at[wid, 0], ibuf[t], si[t]).wait()

        def gather_start(t, r):
            pltpu.async_copy(x_hbm.at[ibuf[t].at[0]], rows[r], sg[r])

        def gather_wait(t, r):
            pltpu.make_async_copy(x_hbm.at[ibuf[t].at[0]], rows[r],
                                  sg[r]).wait()

        def scatter_start(t, r):
            pltpu.async_copy(rows[r], acc_sh.at[ibuf[t].at[1]], ss[r],
                             add=True)
            pltpu.async_copy(ones_v, deg_sh.at[ibuf[t].at[1]], sd[r],
                             add=True)

        def scatter_wait(t, r):
            pltpu.make_async_copy(rows[r], acc_sh.at[ibuf[t].at[1]],
                                  ss[r]).wait()
            pltpu.make_async_copy(ones_v, deg_sh.at[ibuf[t].at[1]],
                                  sd[r]).wait()

        idx_start(0, 0)
        idx_start(1, 1)

        @pl.loop(0, N_MAIN // UNROLL)
        def _(jj):
            for t in range(UNROLL):
                m = jj * UNROLL + t
                r = t % 2

                @pl.when(m >= 2)
                def _():
                    scatter_wait((t + 2) % 4, r)

                @pl.when(m + 2 < N_MAIN)
                def _():
                    idx_start(m + 2, (t + 2) % 4)

                idx_wait(t)
                gather_start(t, r)
                gather_wait(t, r)
                scatter_start(t, r)

        scatter_wait(2, 0)
        scatter_wait(3, 1)
        pltpu.sync_copy(it_hbm.at[wid], tbuf)
        pltpu.async_copy(x_hbm.at[tbuf.at[0]], trows, sg0).wait()
        pltpu.sync_copy(trows, acc_sh.at[tbuf.at[1]], add=True)
        pltpu.sync_copy(ones_v.at[pl.ds(0, TAIL)], deg_sh.at[tbuf.at[1]],
                        add=True)

        plsc.subcore_barrier()
        pltpu.sync_copy(acc_sh.at[pl.ds(base, ROWS_PER_SUB)],
                        acc_out.at[cid, pl.ds(base, ROWS_PER_SUB)])

        @pl.when(sid == NS - 1)
        def _():
            pltpu.sync_copy(acc_sh.at[pl.ds(TAIL_BASE, ROWS_TAIL)],
                            acc_out.at[cid, pl.ds(TAIL_BASE, ROWS_TAIL)])

        pltpu.sync_copy(deg_sh.at[pl.ds(dbase, DEG_ROWS)],
                        deg_out.at[cid, pl.ds(dbase, DEG_ROWS)])

    return k(x, idx_main, idx_tail, zrows, zdeg, ones_chunk)


def _tc_body(x_ref, acc_ref, deg_ref, batch_ref,
             wl_ref, bl_ref, wr_ref, wf1_ref, bf1_ref, wf_ref, bf_ref,
             out_ref):
    x = x_ref[...]
    acc = acc_ref[0] + acc_ref[1]
    deg = (deg_ref[0, 0:N_NODES, 0:1]
           + deg_ref[1, 0:N_NODES, 0:1])
    agg_mean = acc / jnp.maximum(deg, 1.0)
    x_gnn = jnp.maximum(
        jnp.dot(agg_mean, wl_ref[...], preferred_element_type=jnp.float32)
        + bl_ref[...]
        + jnp.dot(x, wr_ref[...], preferred_element_type=jnp.float32),
        0.0)
    x_mlp = jnp.maximum(
        jnp.dot(x, wf1_ref[...], preferred_element_type=jnp.float32)
        + bf1_ref[...],
        0.0)
    x_comb = x_gnn + x_mlp

    b = batch_ref[...]
    gids = lax.broadcasted_iota(jnp.int32, (1, N_GRAPHS), 1)
    onehot = (b == gids).astype(jnp.float32)
    g_sum = lax.dot_general(onehot, x_comb,
                            (((0,), (0,)), ((), ())),
                            preferred_element_type=jnp.float32)
    g_cnt = jnp.sum(onehot, axis=0)[:, None]
    gf = g_sum / jnp.maximum(g_cnt, 1.0)
    logits = jnp.dot(gf, wf_ref[...],
                     preferred_element_type=jnp.float32) + bf_ref[...]
    out_ref[...] = jax.nn.sigmoid(logits)


def kernel(normal_features, extreme_features, edge_index, batch,
           W_l, b_l, W_r, W_fc1, b_fc1, W_fc, b_fc):
    x = jnp.concatenate([normal_features, extreme_features], axis=1)
    src = edge_index[0].astype(jnp.int32).reshape(NW, E_PER_SUB)
    dst = edge_index[1].astype(jnp.int32).reshape(NW, E_PER_SUB)
    idx_main = jnp.stack(
        [src[:, :N_MAIN * CHUNK].reshape(NW, N_MAIN, CHUNK),
         dst[:, :N_MAIN * CHUNK].reshape(NW, N_MAIN, CHUNK)], axis=2)
    idx_tail = jnp.stack(
        [src[:, N_MAIN * CHUNK:], dst[:, N_MAIN * CHUNK:]], axis=1)
    zrows = jnp.zeros((N_NODES, D), jnp.float32)
    zdeg = jnp.zeros((N_PAD, DEG_W), jnp.float32)
    ones_chunk = jnp.ones((CHUNK, DEG_W), jnp.float32)

    acc2, deg2 = _sc_feature_sums(x, idx_main, idx_tail, zrows, zdeg,
                                  ones_chunk)

    out = pl.pallas_call(
        _tc_body,
        out_shape=jax.ShapeDtypeStruct((N_GRAPHS, 1), jnp.float32),
    )(x, acc2, deg2, batch.astype(jnp.int32).reshape(N_NODES, 1),
      W_l, b_l.reshape(1, HID), W_r, W_fc1, b_fc1.reshape(1, HID),
      W_fc, b_fc.reshape(1, 1))
    return out

# --- scband reference (transcript-rebuilt; emitter-appended) ---
"""Pipeline reference for scband-discriminator-70866960384744 (READ-ONLY COPY).

The authoritative reference and input builder live on the scoring server;
editing this copy changes nothing except your own understanding.
"""

import jax, jax.numpy as jnp
import numpy as np

N_NODES = 10000
N_EDGES = 640000
IN_DIM = 64
HID = 128
N_GRAPHS = 16


def setup_inputs(seed: int = 0) -> dict:
    key = jax.random.key(seed)
    ks = jax.random.split(key, 12)
    normal_features = jax.random.normal(ks[0], (N_NODES, IN_DIM), dtype=jnp.float32)
    extreme_features = jax.random.normal(ks[1], (N_NODES, IN_DIM), dtype=jnp.float32)
    edge_index = jax.random.randint(ks[2], (2, N_EDGES), 0, N_NODES, dtype=jnp.int64 if jax.config.jax_enable_x64 else jnp.int32)
    batch = jnp.sort(jax.random.randint(ks[3], (N_NODES,), 0, N_GRAPHS, dtype=jnp.int64 if jax.config.jax_enable_x64 else jnp.int32))
    d_in = 2 * IN_DIM
    s = 1.0 / np.sqrt(d_in)
    W_l = jax.random.uniform(ks[4], (d_in, HID), jnp.float32, -s, s)
    b_l = jax.random.uniform(ks[5], (HID,), jnp.float32, -s, s)
    W_r = jax.random.uniform(ks[6], (d_in, HID), jnp.float32, -s, s)
    W_fc1 = jax.random.uniform(ks[7], (d_in, HID), jnp.float32, -s, s)
    b_fc1 = jax.random.uniform(ks[8], (HID,), jnp.float32, -s, s)
    sh = 1.0 / np.sqrt(HID)
    W_fc = jax.random.uniform(ks[9], (HID, 1), jnp.float32, -sh, sh)
    b_fc = jax.random.uniform(ks[10], (1,), jnp.float32, -sh, sh)
    return {"normal_features": normal_features, "extreme_features": extreme_features,
            "edge_index": edge_index, "batch": batch,
            "W_l": W_l, "b_l": b_l, "W_r": W_r,
            "W_fc1": W_fc1, "b_fc1": b_fc1, "W_fc": W_fc, "b_fc": b_fc}


def reference(normal_features, extreme_features, edge_index, batch,
              W_l, b_l, W_r, W_fc1, b_fc1, W_fc, b_fc):
    x = jnp.concatenate([normal_features, extreme_features], axis=1)
    src = edge_index[0]
    dst = edge_index[1]
    # SAGEConv (mean aggregation): out = lin_l(mean_j x_j) + lin_r(x)
    msg = jnp.take(x, src, axis=0)
    agg_sum = jax.ops.segment_sum(msg, dst, num_segments=N_NODES)
    deg = jax.ops.segment_sum(jnp.ones((msg.shape[0],), jnp.float32), dst, num_segments=N_NODES)
    agg_mean = agg_sum / jnp.clip(deg, 1.0, None)[:, None]
    x_gnn = jax.nn.relu(agg_mean @ W_l + b_l + x @ W_r)
    x_mlp = jax.nn.relu(x @ W_fc1 + b_fc1)
    x_combined = x_gnn + x_mlp
    # global_mean_pool over batch assignment
    g_sum = jax.ops.segment_sum(x_combined, batch, num_segments=N_GRAPHS)
    g_cnt = jax.ops.segment_sum(jnp.ones((N_NODES,), jnp.float32), batch, num_segments=N_GRAPHS)
    graph_feature = g_sum / jnp.clip(g_cnt, 1.0, None)[:, None]
    out = jax.nn.sigmoid(graph_feature @ W_fc + b_fc)
    return out

if __name__ == "__main__":
    import jax
    _d = setup_inputs()
    print(jax.jit(kernel)(*tuple(_d.values())))

</pallas_src>

<mosaic_0001>
#map = affine_map<(d0, d1) -> (0, 0)>
#map1 = affine_map<(d0, d1) -> (0, 0, 0, 0)>
#map2 = affine_map<(d0, d1) -> (0, 0, 0)>
module attributes {stable_mosaic.version = 14 : i64} {
  func.func @k(%arg0: i32, %arg1: i32, %arg2: memref<10000x128xf32, #tpu.memory_space<hbm>>, %arg3: memref<32x156x2x128xi32, #tpu.memory_space<hbm>>, %arg4: memref<32x2x32xi32, #tpu.memory_space<hbm>>, %arg5: memref<10000x128xf32, #tpu.memory_space<hbm>>, %arg6: memref<10240x16xf32, #tpu.memory_space<hbm>>, %arg7: memref<128x16xf32, #tpu.memory_space<hbm>>, %arg8: memref<2x10000x128xf32, #tpu.memory_space<hbm>>, %arg9: memref<2x10240x16xf32, #tpu.memory_space<hbm>>, %arg10: memref<2x128xi32, #tpu.memory_space<vmem>>, %arg11: memref<2x128xi32, #tpu.memory_space<vmem>>, %arg12: memref<2x128xi32, #tpu.memory_space<vmem>>, %arg13: memref<2x128xi32, #tpu.memory_space<vmem>>, %arg14: memref<128x128xf32, #tpu.memory_space<vmem>>, %arg15: memref<128x128xf32, #tpu.memory_space<vmem>>, %arg16: memref<2x32xi32, #tpu.memory_space<vmem>>, %arg17: memref<32x128xf32, #tpu.memory_space<vmem>>, %arg18: memref<128x16xf32, #tpu.memory_space<vmem>>, %arg19: memref<10000x128xf32, #tpu.memory_space<vmem_shared>>, %arg20: memref<10240x16xf32, #tpu.memory_space<vmem_shared>>, %arg21: memref<!tpu.dma_semaphore, #tpu.memory_space<semaphore_mem>>, %arg22: memref<!tpu.dma_semaphore, #tpu.memory_space<semaphore_mem>>, %arg23: memref<!tpu.dma_semaphore, #tpu.memory_space<semaphore_mem>>, %arg24: memref<!tpu.dma_semaphore, #tpu.memory_space<semaphore_mem>>, %arg25: memref<!tpu.dma_semaphore, #tpu.memory_space<semaphore_mem>>, %arg26: memref<!tpu.dma_semaphore, #tpu.memory_space<semaphore_mem>>, %arg27: memref<!tpu.dma_semaphore, #tpu.memory_space<semaphore_mem>>, %arg28: memref<!tpu.dma_semaphore, #tpu.memory_space<semaphore_mem>>, %arg29: memref<!tpu.dma_semaphore, #tpu.memory_space<semaphore_mem>>, %arg30: memref<!tpu.dma_semaphore, #tpu.memory_space<semaphore_mem>>) attributes {dimension_semantics = [#tpu.dimension_semantics<core_parallel>, #tpu.dimension_semantics<subcore_parallel>], iteration_bounds = array<i64: 2, 16>, scalar_prefetch = 0 : i64, scratch_operands = 21 : i64, tpu.core_type = #tpu.core_type<sc_vector_subcore>, window_params = [{transform_indices = #map}, {transform_indices = #map1}, {transform_indices = #map2}, {transform_indices = #map}, {transform_indices = #map}, {transform_indices = #map}, {transform_indices = #map2}, {transform_indices = #map2}]} {
    %mul3A = arith.constant 16 : i32
    %mul3A_0 = arith.muli %arg0, %mul3A : i32
    %add3A = arith.addi %mul3A_0, %arg1 : i32
    %mul3A_1 = arith.constant 624 : i32
    %mul3A_2 = arith.muli %arg1, %mul3A_1 : i32
    %mul3A_3 = arith.constant 640 : i32
    %mul3A_4 = arith.muli %arg1, %mul3A_3 : i32
    "tpu.region"() ({
      %run_scoped3A_76 = tpu.sem_alloc : memref<!tpu.dma_semaphore, #tpu.memory_space<semaphore_mem>>
      %dma_start3A_77 = arith.constant 0 : i32
      %dma_start3A_78 = tpu.memref_slice %arg19[%mul3A_2, %dma_start3A_77] : memref<10000x128xf32, #tpu.memory_space<vmem_shared>> -> memref<624x128xf32, #tpu.memory_space<vmem_shared>>
      %dma_start3A_79 = arith.constant 0 : i32
      %dma_start3A_80 = tpu.memref_slice %arg5[%mul3A_2, %dma_start3A_79] : memref<10000x128xf32, #tpu.memory_space<hbm>> -> memref<624x128xf32, #tpu.memory_space<hbm>>
      tpu.enqueue_dma source(%dma_start3A_80 : memref<624x128xf32, #tpu.memory_space<hbm>>) target(%dma_start3A_78 : memref<624x128xf32, #tpu.memory_space<vmem_shared>>) target_semaphore(%run_scoped3A_76 : memref<!tpu.dma_semaphore, #tpu.memory_space<semaphore_mem>>)
      %dma_wait3A_81 = arith.constant 0 : i32
      %dma_wait3A_82 = tpu.memref_slice %arg19[%mul3A_2, %dma_wait3A_81] : memref<10000x128xf32, #tpu.memory_space<vmem_shared>> -> memref<624x128xf32, #tpu.memory_space<vmem_shared>>
      %dma_wait3A_83 = arith.constant 0 : i32
      %dma_wait3A_84 = tpu.memref_slice %arg5[%mul3A_2, %dma_wait3A_83] : memref<10000x128xf32, #tpu.memory_space<hbm>> -> memref<624x128xf32, #tpu.memory_space<hbm>>
      tpu.wait_dma2 semaphore(%run_scoped3A_76 : memref<!tpu.dma_semaphore, #tpu.memory_space<semaphore_mem>>) src(%dma_wait3A_84 : memref<624x128xf32, #tpu.memory_space<hbm>>) dst(%dma_wait3A_82 : memref<624x128xf32, #tpu.memory_space<vmem_shared>>)
      tpu.yield
    }) : () -> ()
    %eq3A = arith.constant 15 : i32
    %eq3A_5 = arith.cmpi eq, %arg1, %eq3A : i32
    %convert_element_type3A = arith.extui %eq3A_5 : i1 to i32
    %cond3A = arith.constant 0 : i32
    %cond3A_6 = arith.cmpi ne, %convert_element_type3A, %cond3A : i32
    scf.if %cond3A_6 {
      "tpu.region"() ({
        %run_scoped3A_76 = tpu.sem_alloc : memref<!tpu.dma_semaphore, #tpu.memory_space<semaphore_mem>>
        %dma_start3A_77 = arith.constant 9984 : i32
        %dma_start3A_78 = arith.constant 0 : i32
        %dma_start3A_79 = tpu.memref_slice %arg19[%dma_start3A_77, %dma_start3A_78] : memref<10000x128xf32, #tpu.memory_space<vmem_shared>> -> memref<16x128xf32, #tpu.memory_space<vmem_shared>>
        %dma_start3A_80 = arith.constant 9984 : i32
        %dma_start3A_81 = arith.constant 0 : i32
        %dma_start3A_82 = tpu.memref_slice %arg5[%dma_start3A_80, %dma_start3A_81] : memref<10000x128xf32, #tpu.memory_space<hbm>> -> memref<16x128xf32, #tpu.memory_space<hbm>>
        tpu.enqueue_dma source(%dma_start3A_82 : memref<16x128xf32, #tpu.memory_space<hbm>>) target(%dma_start3A_79 : memref<16x128xf32, #tpu.memory_space<vmem_shared>>) target_semaphore(%run_scoped3A_76 : memref<!tpu.dma_semaphore, #tpu.memory_space<semaphore_mem>>)
        %dma_wait3A_83 = arith.constant 9984 : i32
        %dma_wait3A_84 = arith.constant 0 : i32
        %dma_wait3A_85 = tpu.memref_slice %arg19[%dma_wait3A_83, %dma_wait3A_84] : memref<10000x128xf32, #tpu.memory_space<vmem_shared>> -> memref<16x128xf32, #tpu.memory_space<vmem_shared>>
        %dma_wait3A_86 = arith.constant 9984 : i32
        %dma_wait3A_87 = arith.constant 0 : i32
        %dma_wait3A_88 = tpu.memref_slice %arg5[%dma_wait3A_86, %dma_wait3A_87] : memref<10000x128xf32, #tpu.memory_space<hbm>> -> memref<16x128xf32, #tpu.memory_space<hbm>>
        tpu.wait_dma2 semaphore(%run_scoped3A_76 : memref<!tpu.dma_semaphore, #tpu.memory_space<semaphore_mem>>) src(%dma_wait3A_88 : memref<16x128xf32, #tpu.memory_space<hbm>>) dst(%dma_wait3A_85 : memref<16x128xf32, #tpu.memory_space<vmem_shared>>)
        tpu.yield
      }) : () -> ()
    } else {
    }
    "tpu.region"() ({
      %run_scoped3A_76 = tpu.sem_alloc : memref<!tpu.dma_semaphore, #tpu.memory_space<semaphore_mem>>
      %dma_start3A_77 = arith.constant 0 : i32
      %dma_start3A_78 = tpu.memref_slice %arg20[%mul3A_4, %dma_start3A_77] : memref<10240x16xf32, #tpu.memory_space<vmem_shared>> -> memref<640x16xf32, #tpu.memory_space<vmem_shared>>
      %dma_start3A_79 = arith.constant 0 : i32
      %dma_start3A_80 = tpu.memref_slice %arg6[%mul3A_4, %dma_start3A_79] : memref<10240x16xf32, #tpu.memory_space<hbm>> -> memref<640x16xf32, #tpu.memory_space<hbm>>
      tpu.enqueue_dma source(%dma_start3A_80 : memref<640x16xf32, #tpu.memory_space<hbm>>) target(%dma_start3A_78 : memref<640x16xf32, #tpu.memory_space<vmem_shared>>) target_semaphore(%run_scoped3A_76 : memref<!tpu.dma_semaphore, #tpu.memory_space<semaphore_mem>>)
      %dma_wait3A_81 = arith.constant 0 : i32
      %dma_wait3A_82 = tpu.memref_slice %arg20[%mul3A_4, %dma_wait3A_81] : memref<10240x16xf32, #tpu.memory_space<vmem_shared>> -> memref<640x16xf32, #tpu.memory_space<vmem_shared>>
      %dma_wait3A_83 = arith.constant 0 : i32
      %dma_wait3A_84 = tpu.memref_slice %arg6[%mul3A_4, %dma_wait3A_83] : memref<10240x16xf32, #tpu.memory_space<hbm>> -> memref<640x16xf32, #tpu.memory_space<hbm>>
      tpu.wait_dma2 semaphore(%run_scoped3A_76 : memref<!tpu.dma_semaphore, #tpu.memory_space<semaphore_mem>>) src(%dma_wait3A_84 : memref<640x16xf32, #tpu.memory_space<hbm>>) dst(%dma_wait3A_82 : memref<640x16xf32, #tpu.memory_space<vmem_shared>>)
      tpu.yield
    }) : () -> ()
    "tpu.region"() ({
      %run_scoped3A_76 = tpu.sem_alloc : memref<!tpu.dma_semaphore, #tpu.memory_space<semaphore_mem>>
      tpu.enqueue_dma source(%arg7 : memref<128x16xf32, #tpu.memory_space<hbm>>) target(%arg18 : memref<128x16xf32, #tpu.memory_space<vmem>>) target_semaphore(%run_scoped3A_76 : memref<!tpu.dma_semaphore, #tpu.memory_space<semaphore_mem>>)
      tpu.wait_dma2 semaphore(%run_scoped3A_76 : memref<!tpu.dma_semaphore, #tpu.memory_space<semaphore_mem>>) src(%arg7 : memref<128x16xf32, #tpu.memory_space<hbm>>) dst(%arg18 : memref<128x16xf32, #tpu.memory_space<vmem>>)
      tpu.yield
    }) : () -> ()
    %barrier3A = arith.constant 0 : index
    tpu.barrier barrier_id(%barrier3A)
    %dma_start3A = arith.constant 0 : i32
    %dma_start3A_7 = arith.constant 0 : i32
    %dma_start3A_8 = arith.constant 0 : i32
    %dma_start3A_9 = tpu.memref_slice %arg3[%add3A, %dma_start3A, %dma_start3A_7, %dma_start3A_8] : memref<32x156x2x128xi32, #tpu.memory_space<hbm>> -> memref<1x1x2x128xi32, #tpu.memory_space<hbm>>
    %dma_start3A_10 = tpu.memref_squeeze %dma_start3A_9 : memref<1x1x2x128xi32, #tpu.memory_space<hbm>> -> memref<2x128xi32, #tpu.memory_space<hbm>>
    %dma_start3A_11 = arith.constant 0 : i32
    %dma_start3A_12 = arith.constant 0 : i32
    %dma_start3A_13 = tpu.memref_slice %arg3[%add3A, %dma_start3A, %dma_start3A_11, %dma_start3A_12] : memref<32x156x2x128xi32, #tpu.memory_space<hbm>> -> memref<1x1x2x128xi32, #tpu.memory_space<hbm>>
    %dma_start3A_14 = tpu.memref_squeeze %dma_start3A_13 : memref<1x1x2x128xi32, #tpu.memory_space<hbm>> -> memref<2x128xi32, #tpu.memory_space<hbm>>
    tpu.enqueue_dma source(%dma_start3A_14 : memref<2x128xi32, #tpu.memory_space<hbm>>) target(%arg10 : memref<2x128xi32, #tpu.memory_space<vmem>>) target_semaphore(%arg21 : memref<!tpu.dma_semaphore, #tpu.memory_space<semaphore_mem>>)
    %dma_start3A_15 = arith.constant 1 : i32
    %dma_start3A_16 = arith.constant 0 : i32
    %dma_start3A_17 = arith.constant 0 : i32
    %dma_start3A_18 = tpu.memref_slice %arg3[%add3A, %dma_start3A_15, %dma_start3A_16, %dma_start3A_17] : memref<32x156x2x128xi32, #tpu.memory_space<hbm>> -> memref<1x1x2x128xi32, #tpu.memory_space<hbm>>
    %dma_start3A_19 = tpu.memref_squeeze %dma_start3A_18 : memref<1x1x2x128xi32, #tpu.memory_space<hbm>> -> memref<2x128xi32, #tpu.memory_space<hbm>>
    %dma_start3A_20 = arith.constant 0 : i32
    %dma_start3A_21 = arith.constant 0 : i32
    %dma_start3A_22 = tpu.memref_slice %arg3[%add3A, %dma_start3A_15, %dma_start3A_20, %dma_start3A_21] : memref<32x156x2x128xi32, #tpu.memory_space<hbm>> -> memref<1x1x2x128xi32, #tpu.memory_space<hbm>>
    %dma_start3A_23 = tpu.memref_squeeze %dma_start3A_22 : memref<1x1x2x128xi32, #tpu.memory_space<hbm>> -> memref<2x128xi32, #tpu.memory_space<hbm>>
    tpu.enqueue_dma source(%dma_start3A_23 : memref<2x128xi32, #tpu.memory_space<hbm>>) target(%arg11 : memref<2x128xi32, #tpu.memory_space<vmem>>) target_semaphore(%arg22 : memref<!tpu.dma_semaphore, #tpu.memory_space<semaphore_mem>>)
    %scan3A = arith.constant 0 : i32
    %scan3A_24 = arith.constant 39 : i32
    %scan3A_25 = arith.addi %scan3A, %scan3A_24 : i32
    %scan3A_26 = arith.constant 1 : i32
    scf.for %scan3A_76 = %scan3A to %scan3A_25 step %scan3A_26  : i32 {
      %mul3A_77 = arith.constant 1 : i32
      %mul3A_78 = arith.muli %scan3A_76, %mul3A_77 : i32
      %add3A_79 = arith.constant 0 : i32
      %add3A_80 = arith.addi %add3A_79, %mul3A_78 : i32
      %mul3A_81 = arith.constant 4 : i32
      %mul3A_82 = arith.muli %add3A_80, %mul3A_81 : i32
      %add3A_83 = arith.constant 0 : i32
      %add3A_84 = arith.addi %mul3A_82, %add3A_83 : i32
      %ge3A = arith.constant 2 : i32
      %ge3A_85 = arith.cmpi sge, %add3A_84, %ge3A : i32
      %convert_element_type3A_86 = arith.extui %ge3A_85 : i1 to i32
      %cond3A_87 = arith.constant 0 : i32
      %cond3A_88 = arith.cmpi ne, %convert_element_type3A_86, %cond3A_87 : i32
      scf.if %cond3A_88 {
        %dma_wait3A_291 = arith.constant 1 : i32
        %dma_wait3A_292 = arith.constant 0 : i32
        %dma_wait3A_293 = tpu.memref_slice %arg12[%dma_wait3A_291, %dma_wait3A_292] : memref<2x128xi32, #tpu.memory_space<vmem>> -> memref<1x128xi32, #tpu.memory_space<vmem>>
        %dma_wait3A_294 = tpu.memref_squeeze %dma_wait3A_293 : memref<1x128xi32, #tpu.memory_space<vmem>> -> memref<128xi32, #tpu.memory_space<vmem>>
        %dma_wait3A_295 = arith.constant 0 : i32
        %dma_wait3A_296 = arith.constant 0 : i32
        %dma_wait3A_297 = tpu.memref_slice %arg19[%dma_wait3A_295, %dma_wait3A_296] : memref<10000x128xf32, #tpu.memory_space<vmem_shared>> -> memref<10000x128xf32, #tpu.memory_space<vmem_shared>>
        tpu.wait_indirect_dma semaphore(%arg27 : memref<!tpu.dma_semaphore, #tpu.memory_space<semaphore_mem>>) src(%arg14 : memref<128x128xf32, #tpu.memory_space<vmem>>) dst(%dma_wait3A_297 : memref<10000x128xf32, #tpu.memory_space<vmem_shared>>)
        %dma_wait3A_298 = arith.constant 1 : i32
        %dma_wait3A_299 = arith.constant 0 : i32
        %dma_wait3A_300 = tpu.memref_slice %arg12[%dma_wait3A_298, %dma_wait3A_299] : memref<2x128xi32, #tpu.memory_space<vmem>> -> memref<1x128xi32, #tpu.memory_space<vmem>>
        %dma_wait3A_301 = tpu.memref_squeeze %dma_wait3A_300 : memref<1x128xi32, #tpu.memory_space<vmem>> -> memref<128xi32, #tpu.memory_space<vmem>>
        %dma_wait3A_302 = arith.constant 0 : i32
        %dma_wait3A_303 = arith.constant 0 : i32
        %dma_wait3A_304 = tpu.memref_slice %arg20[%dma_wait3A_302, %dma_wait3A_303] : memref<10240x16xf32, #tpu.memory_space<vmem_shared>> -> memref<10240x16xf32, #tpu.memory_space<vmem_shared>>
        tpu.wait_indirect_dma semaphore(%arg29 : memref<!tpu.dma_semaphore, #tpu.memory_space<semaphore_mem>>) src(%arg18 : memref<128x16xf32, #tpu.memory_space<vmem>>) dst(%dma_wait3A_304 : memref<10240x16xf32, #tpu.memory_space<vmem_shared>>)
      } else {
      }
      %add3A_89 = arith.constant 2 : i32
      %add3A_90 = arith.addi %add3A_84, %add3A_89 : i32
      %lt3A = arith.constant 156 : i32
      %lt3A_91 = arith.cmpi slt, %add3A_90, %lt3A : i32
      %convert_element_type3A_92 = arith.extui %lt3A_91 : i1 to i32
      %cond3A_93 = arith.constant 0 : i32
      %cond3A_94 = arith.cmpi ne, %convert_element_type3A_92, %cond3A_93 : i32
      scf.if %cond3A_94 {
        %add3A_291 = arith.constant 2 : i32
        %add3A_292 = arith.addi %add3A_84, %add3A_291 : i32
        %dma_start3A_293 = arith.constant 0 : i32
        %dma_start3A_294 = arith.constant 0 : i32
        %dma_start3A_295 = tpu.memref_slice %arg3[%add3A, %add3A_292, %dma_start3A_293, %dma_start3A_294] : memref<32x156x2x128xi32, #tpu.memory_space<hbm>> -> memref<1x1x2x128xi32, #tpu.memory_space<hbm>>
        %dma_start3A_296 = tpu.memref_squeeze %dma_start3A_295 : memref<1x1x2x128xi32, #tpu.memory_space<hbm>> -> memref<2x128xi32, #tpu.memory_space<hbm>>
        %dma_start3A_297 = arith.constant 0 : i32
        %dma_start3A_298 = arith.constant 0 : i32
        %dma_start3A_299 = tpu.memref_slice %arg3[%add3A, %add3A_292, %dma_start3A_297, %dma_start3A_298] : memref<32x156x2x128xi32, #tpu.memory_space<hbm>> -> memref<1x1x2x128xi32, #tpu.memory_space<hbm>>
        %dma_start3A_300 = tpu.memref_squeeze %dma_start3A_299 : memref<1x1x2x128xi32, #tpu.memory_space<hbm>> -> memref<2x128xi32, #tpu.memory_space<hbm>>
        tpu.enqueue_dma source(%dma_start3A_300 : memref<2x128xi32, #tpu.memory_space<hbm>>) target(%arg12 : memref<2x128xi32, #tpu.memory_space<vmem>>) target_semaphore(%arg23 : memref<!tpu.dma_semaphore, #tpu.memory_space<semaphore_mem>>)
      } else {
      }
      %dma_wait3A_95 = arith.constant 0 : i32
      %dma_wait3A_96 = arith.constant 0 : i32
      %dma_wait3A_97 = arith.constant 0 : i32
      %dma_wait3A_98 = tpu.memref_slice %arg3[%add3A, %dma_wait3A_95, %dma_wait3A_96, %dma_wait3A_97] : memref<32x156x2x128xi32, #tpu.memory_space<hbm>> -> memref<1x1x2x128xi32, #tpu.memory_space<hbm>>
      %dma_wait3A_99 = tpu.memref_squeeze %dma_wait3A_98 : memref<1x1x2x128xi32, #tpu.memory_space<hbm>> -> memref<2x128xi32, #tpu.memory_space<hbm>>
      %dma_wait3A_100 = arith.constant 0 : i32
      %dma_wait3A_101 = arith.constant 0 : i32
      %dma_wait3A_102 = tpu.memref_slice %arg3[%add3A, %dma_wait3A_95, %dma_wait3A_100, %dma_wait3A_101] : memref<32x156x2x128xi32, #tpu.memory_space<hbm>> -> memref<1x1x2x128xi32, #tpu.memory_space<hbm>>
      %dma_wait3A_103 = tpu.memref_squeeze %dma_wait3A_102 : memref<1x1x2x128xi32, #tpu.memory_space<hbm>> -> memref<2x128xi32, #tpu.memory_space<hbm>>
      tpu.wait_dma2 semaphore(%arg21 : memref<!tpu.dma_semaphore, #tpu.memory_space<semaphore_mem>>) src(%dma_wait3A_103 : memref<2x128xi32, #tpu.memory_space<hbm>>) dst(%arg10 : memref<2x128xi32, #tpu.memory_space<vmem>>)
      %dma_start3A_104 = arith.constant 0 : i32
      %dma_start3A_105 = arith.constant 0 : i32
      %dma_start3A_106 = tpu.memref_slice %arg10[%dma_start3A_104, %dma_start3A_105] : memref<2x128xi32, #tpu.memory_space<vmem>> -> memref<1x128xi32, #tpu.memory_space<vmem>>
      %dma_start3A_107 = tpu.memref_squeeze %dma_start3A_106 : memref<1x128xi32, #tpu.memory_space<vmem>> -> memref<128xi32, #tpu.memory_space<vmem>>
      %dma_start3A_108 = arith.constant 0 : i32
      %dma_start3A_109 = arith.constant 0 : i32
      %dma_start3A_110 = tpu.memref_slice %arg2[%dma_start3A_108, %dma_start3A_109] : memref<10000x128xf32, #tpu.memory_space<hbm>> -> memref<10000x128xf32, #tpu.memory_space<hbm>>
      tpu.enqueue_indirect_dma source(%dma_start3A_110 : memref<10000x128xf32, #tpu.memory_space<hbm>>) target(%arg14 : memref<128x128xf32, #tpu.memory_space<vmem>>) offsets(%dma_start3A_107 : memref<128xi32, #tpu.memory_space<vmem>>) semaphore(%arg25 : memref<!tpu.dma_semaphore, #tpu.memory_space<semaphore_mem>>)
      %dma_wait3A_111 = arith.constant 0 : i32
      %dma_wait3A_112 = arith.constant 0 : i32
      %dma_wait3A_113 = tpu.memref_slice %arg10[%dma_wait3A_111, %dma_wait3A_112] : memref<2x128xi32, #tpu.memory_space<vmem>> -> memref<1x128xi32, #tpu.memory_space<vmem>>
      %dma_wait3A_114 = tpu.memref_squeeze %dma_wait3A_113 : memref<1x128xi32, #tpu.memory_space<vmem>> -> memref<128xi32, #tpu.memory_space<vmem>>
      %dma_wait3A_115 = arith.constant 0 : i32
      %dma_wait3A_116 = arith.constant 0 : i32
      %dma_wait3A_117 = tpu.memref_slice %arg2[%dma_wait3A_115, %dma_wait3A_116] : memref<10000x128xf32, #tpu.memory_space<hbm>> -> memref<10000x128xf32, #tpu.memory_space<hbm>>
      tpu.wait_indirect_dma semaphore(%arg25 : memref<!tpu.dma_semaphore, #tpu.memory_space<semaphore_mem>>) src(%dma_wait3A_117 : memref<10000x128xf32, #tpu.memory_space<hbm>>) dst(%arg14 : memref<128x128xf32, #tpu.memory_space<vmem>>)
      %dma_start3A_118 = arith.constant 1 : i32
      %dma_start3A_119 = arith.constant 0 : i32
      %dma_start3A_120 = tpu.memref_slice %arg10[%dma_start3A_118, %dma_start3A_119] : memref<2x128xi32, #tpu.memory_space<vmem>> -> memref<1x128xi32, #tpu.memory_space<vmem>>
      %dma_start3A_121 = tpu.memref_squeeze %dma_start3A_120 : memref<1x128xi32, #tpu.memory_space<vmem>> -> memref<128xi32, #tpu.memory_space<vmem>>
      %dma_start3A_122 = arith.constant 0 : i32
      %dma_start3A_123 = arith.constant 0 : i32
      %dma_start3A_124 = tpu.memref_slice %arg19[%dma_start3A_122, %dma_start3A_123] : memref<10000x128xf32, #tpu.memory_space<vmem_shared>> -> memref<10000x128xf32, #tpu.memory_space<vmem_shared>>
      tpu.enqueue_indirect_dma source(%arg14 : memref<128x128xf32, #tpu.memory_space<vmem>>) target(%dma_start3A_124 : memref<10000x128xf32, #tpu.memory_space<vmem_shared>>) offsets(%dma_start3A_121 : memref<128xi32, #tpu.memory_space<vmem>>) semaphore(%arg27 : memref<!tpu.dma_semaphore, #tpu.memory_space<semaphore_mem>>) {add = true}
      %dma_start3A_125 = arith.constant 1 : i32
      %dma_start3A_126 = arith.constant 0 : i32
      %dma_start3A_127 = tpu.memref_slice %arg10[%dma_start3A_125, %dma_start3A_126] : memref<2x128xi32, #tpu.memory_space<vmem>> -> memref<1x128xi32, #tpu.memory_space<vmem>>
      %dma_start3A_128 = tpu.memref_squeeze %dma_start3A_127 : memref<1x128xi32, #tpu.memory_space<vmem>> -> memref<128xi32, #tpu.memory_space<vmem>>
      %dma_start3A_129 = arith.constant 0 : i32
      %dma_start3A_130 = arith.constant 0 : i32
      %dma_start3A_131 = tpu.memref_slice %arg20[%dma_start3A_129, %dma_start3A_130] : memref<10240x16xf32, #tpu.memory_space<vmem_shared>> -> memref<10240x16xf32, #tpu.memory_space<vmem_shared>>
      tpu.enqueue_indirect_dma source(%arg18 : memref<128x16xf32, #tpu.memory_space<vmem>>) target(%dma_start3A_131 : memref<10240x16xf32, #tpu.memory_space<vmem_shared>>) offsets(%dma_start3A_128 : memref<128xi32, #tpu.memory_space<vmem>>) semaphore(%arg29 : memref<!tpu.dma_semaphore, #tpu.memory_space<semaphore_mem>>) {add = true}
      %mul3A_132 = arith.constant 4 : i32
      %mul3A_133 = arith.muli %add3A_80, %mul3A_132 : i32
      %add3A_134 = arith.constant 1 : i32
      %add3A_135 = arith.addi %mul3A_133, %add3A_134 : i32
      %ge3A_136 = arith.constant 2 : i32
      %ge3A_137 = arith.cmpi sge, %add3A_135, %ge3A_136 : i32
      %convert_element_type3A_138 = arith.extui %ge3A_137 : i1 to i32
      %cond3A_139 = arith.constant 0 : i32
      %cond3A_140 = arith.cmpi ne, %convert_element_type3A_138, %cond3A_139 : i32
      scf.if %cond3A_140 {
        %dma_wait3A_291 = arith.constant 1 : i32
        %dma_wait3A_292 = arith.constant 0 : i32
        %dma_wait3A_293 = tpu.memref_slice %arg13[%dma_wait3A_291, %dma_wait3A_292] : memref<2x128xi32, #tpu.memory_space<vmem>> -> memref<1x128xi32, #tpu.memory_space<vmem>>
        %dma_wait3A_294 = tpu.memref_squeeze %dma_wait3A_293 : memref<1x128xi32, #tpu.memory_space<vmem>> -> memref<128xi32, #tpu.memory_space<vmem>>
        %dma_wait3A_295 = arith.constant 0 : i32
        %dma_wait3A_296 = arith.constant 0 : i32
        %dma_wait3A_297 = tpu.memref_slice %arg19[%dma_wait3A_295, %dma_wait3A_296] : memref<10000x128xf32, #tpu.memory_space<vmem_shared>> -> memref<10000x128xf32, #tpu.memory_space<vmem_shared>>
        tpu.wait_indirect_dma semaphore(%arg28 : memref<!tpu.dma_semaphore, #tpu.memory_space<semaphore_mem>>) src(%arg15 : memref<128x128xf32, #tpu.memory_space<vmem>>) dst(%dma_wait3A_297 : memref<10000x128xf32, #tpu.memory_space<vmem_shared>>)
        %dma_wait3A_298 = arith.constant 1 : i32
        %dma_wait3A_299 = arith.constant 0 : i32
        %dma_wait3A_300 = tpu.memref_slice %arg13[%dma_wait3A_298, %dma_wait3A_299] : memref<2x128xi32, #tpu.memory_space<vmem>> -> memref<1x128xi32, #tpu.memory_space<vmem>>
        %dma_wait3A_301 = tpu.memref_squeeze %dma_wait3A_300 : memref<1x128xi32, #tpu.memory_space<vmem>> -> memref<128xi32, #tpu.memory_space<vmem>>
        %dma_wait3A_302 = arith.constant 0 : i32
        %dma_wait3A_303 = arith.constant 0 : i32
        %dma_wait3A_304 = tpu.memref_slice %arg20[%dma_wait3A_302, %dma_wait3A_303] : memref<10240x16xf32, #tpu.memory_space<vmem_shared>> -> memref<10240x16xf32, #tpu.memory_space<vmem_shared>>
        tpu.wait_indirect_dma semaphore(%arg30 : memref<!tpu.dma_semaphore, #tpu.memory_space<semaphore_mem>>) src(%arg18 : memref<128x16xf32, #tpu.memory_space<vmem>>) dst(%dma_wait3A_304 : memref<10240x16xf32, #tpu.memory_space<vmem_shared>>)
      } else {
      }
      %add3A_141 = arith.constant 2 : i32
      %add3A_142 = arith.addi %add3A_135, %add3A_141 : i32
      %lt3A_143 = arith.constant 156 : i32
      %lt3A_144 = arith.cmpi slt, %add3A_142, %lt3A_143 : i32
      %convert_element_type3A_145 = arith.extui %lt3A_144 : i1 to i32
      %cond3A_146 = arith.constant 0 : i32
      %cond3A_147 = arith.cmpi ne, %convert_element_type3A_145, %cond3A_146 : i32
      scf.if %cond3A_147 {
        %add3A_291 = arith.constant 2 : i32
        %add3A_292 = arith.addi %add3A_135, %add3A_291 : i32
        %dma_start3A_293 = arith.constant 0 : i32
        %dma_start3A_294 = arith.constant 0 : i32
        %dma_start3A_295 = tpu.memref_slice %arg3[%add3A, %add3A_292, %dma_start3A_293, %dma_start3A_294] : memref<32x156x2x128xi32, #tpu.memory_space<hbm>> -> memref<1x1x2x128xi32, #tpu.memory_space<hbm>>
        %dma_start3A_296 = tpu.memref_squeeze %dma_start3A_295 : memref<1x1x2x128xi32, #tpu.memory_space<hbm>> -> memref<2x128xi32, #tpu.memory_space<hbm>>
        %dma_start3A_297 = arith.constant 0 : i32
        %dma_start3A_298 = arith.constant 0 : i32
        %dma_start3A_299 = tpu.memref_slice %arg3[%add3A, %add3A_292, %dma_start3A_297, %dma_start3A_298] : memref<32x156x2x128xi32, #tpu.memory_space<hbm>> -> memref<1x1x2x128xi32, #tpu.memory_space<hbm>>
        %dma_start3A_300 = tpu.memref_squeeze %dma_start3A_299 : memref<1x1x2x128xi32, #tpu.memory_space<hbm>> -> memref<2x128xi32, #tpu.memory_space<hbm>>
        tpu.enqueue_dma source(%dma_start3A_300 : memref<2x128xi32, #tpu.memory_space<hbm>>) target(%arg13 : memref<2x128xi32, #tpu.memory_space<vmem>>) target_semaphore(%arg24 : memref<!tpu.dma_semaphore, #tpu.memory_space<semaphore_mem>>)
      } else {
      }
      %dma_wait3A_148 = arith.constant 0 : i32
      %dma_wait3A_149 = arith.constant 0 : i32
      %dma_wait3A_150 = arith.constant 0 : i32
      %dma_wait3A_151 = tpu.memref_slice %arg3[%add3A, %dma_wait3A_148, %dma_wait3A_149, %dma_wait3A_150] : memref<32x156x2x128xi32, #tpu.memory_space<hbm>> -> memref<1x1x2x128xi32, #tpu.memory_space<hbm>>
      %dma_wait3A_152 = tpu.memref_squeeze %dma_wait3A_151 : memref<1x1x2x128xi32, #tpu.memory_space<hbm>> -> memref<2x128xi32, #tpu.memory_space<hbm>>
      %dma_wait3A_153 = arith.constant 0 : i32
      %dma_wait3A_154 = arith.constant 0 : i32
      %dma_wait3A_155 = tpu.memref_slice %arg3[%add3A, %dma_wait3A_148, %dma_wait3A_153, %dma_wait3A_154] : memref<32x156x2x128xi32, #tpu.memory_space<hbm>> -> memref<1x1x2x128xi32, #tpu.memory_space<hbm>>
      %dma_wait3A_156 = tpu.memref_squeeze %dma_wait3A_155 : memref<1x1x2x128xi32, #tpu.memory_space<hbm>> -> memref<2x128xi32, #tpu.memory_space<hbm>>
      tpu.wait_dma2 semaphore(%arg22 : memref<!tpu.dma_semaphore, #tpu.memory_space<semaphore_mem>>) src(%dma_wait3A_156 : memref<2x128xi32, #tpu.memory_space<hbm>>) dst(%arg11 : memref<2x128xi32, #tpu.memory_space<vmem>>)
      %dma_start3A_157 = arith.constant 0 : i32
      %dma_start3A_158 = arith.constant 0 : i32
      %dma_start3A_159 = tpu.memref_slice %arg11[%dma_start3A_157, %dma_start3A_158] : memref<2x128xi32, #tpu.memory_space<vmem>> -> memref<1x128xi32, #tpu.memory_space<vmem>>
      %dma_start3A_160 = tpu.memref_squeeze %dma_start3A_159 : memref<1x128xi32, #tpu.memory_space<vmem>> -> memref<128xi32, #tpu.memory_space<vmem>>
      %dma_start3A_161 = arith.constant 0 : i32
      %dma_start3A_162 = arith.constant 0 : i32
      %dma_start3A_163 = tpu.memref_slice %arg2[%dma_start3A_161, %dma_start3A_162] : memref<10000x128xf32, #tpu.memory_space<hbm>> -> memref<10000x128xf32, #tpu.memory_space<hbm>>
      tpu.enqueue_indirect_dma source(%dma_start3A_163 : memref<10000x128xf32, #tpu.memory_space<hbm>>) target(%arg15 : memref<128x128xf32, #tpu.memory_space<vmem>>) offsets(%dma_start3A_160 : memref<128xi32, #tpu.memory_space<vmem>>) semaphore(%arg26 : memref<!tpu.dma_semaphore, #tpu.memory_space<semaphore_mem>>)
      %dma_wait3A_164 = arith.constant 0 : i32
      %dma_wait3A_165 = arith.constant 0 : i32
      %dma_wait3A_166 = tpu.memref_slice %arg11[%dma_wait3A_164, %dma_wait3A_165] : memref<2x128xi32, #tpu.memory_space<vmem>> -> memref<1x128xi32, #tpu.memory_space<vmem>>
      %dma_wait3A_167 = tpu.memref_squeeze %dma_wait3A_166 : memref<1x128xi32, #tpu.memory_space<vmem>> -> memref<128xi32, #tpu.memory_space<vmem>>
      %dma_wait3A_168 = arith.constant 0 : i32
      %dma_wait3A_169 = arith.constant 0 : i32
      %dma_wait3A_170 = tpu.memref_slice %arg2[%dma_wait3A_168, %dma_wait3A_169] : memref<10000x128xf32, #tpu.memory_space<hbm>> -> memref<10000x128xf32, #tpu.memory_space<hbm>>
      tpu.wait_indirect_dma semaphore(%arg26 : memref<!tpu.dma_semaphore, #tpu.memory_space<semaphore_mem>>) src(%dma_wait3A_170 : memref<10000x128xf32, #tpu.memory_space<hbm>>) dst(%arg15 : memref<128x128xf32, #tpu.memory_space<vmem>>)
      %dma_start3A_171 = arith.constant 1 : i32
      %dma_start3A_172 = arith.constant 0 : i32
      %dma_start3A_173 = tpu.memref_slice %arg11[%dma_start3A_171, %dma_start3A_172] : memref<2x128xi32, #tpu.memory_space<vmem>> -> memref<1x128xi32, #tpu.memory_space<vmem>>
      %dma_start3A_174 = tpu.memref_squeeze %dma_start3A_173 : memref<1x128xi32, #tpu.memory_space<vmem>> -> memref<128xi32, #tpu.memory_space<vmem>>
      %dma_start3A_175 = arith.constant 0 : i32
      %dma_start3A_176 = arith.constant 0 : i32
      %dma_start3A_177 = tpu.memref_slice %arg19[%dma_start3A_175, %dma_start3A_176] : memref<10000x128xf32, #tpu.memory_space<vmem_shared>> -> memref<10000x128xf32, #tpu.memory_space<vmem_shared>>
      tpu.enqueue_indirect_dma source(%arg15 : memref<128x128xf32, #tpu.memory_space<vmem>>) target(%dma_start3A_177 : memref<10000x128xf32, #tpu.memory_space<vmem_shared>>) offsets(%dma_start3A_174 : memref<128xi32, #tpu.memory_space<vmem>>) semaphore(%arg28 : memref<!tpu.dma_semaphore, #tpu.memory_space<semaphore_mem>>) {add = true}
      %dma_start3A_178 = arith.constant 1 : i32
      %dma_start3A_179 = arith.constant 0 : i32
      %dma_start3A_180 = tpu.memref_slice %arg11[%dma_start3A_178, %dma_start3A_179] : memref<2x128xi32, #tpu.memory_space<vmem>> -> memref<1x128xi32, #tpu.memory_space<vmem>>
      %dma_start3A_181 = tpu.memref_squeeze %dma_start3A_180 : memref<1x128xi32, #tpu.memory_space<vmem>> -> memref<128xi32, #tpu.memory_space<vmem>>
      %dma_start3A_182 = arith.constant 0 : i32
      %dma_start3A_183 = arith.constant 0 : i32
      %dma_start3A_184 = tpu.memref_slice %arg20[%dma_start3A_182, %dma_start3A_183] : memref<10240x16xf32, #tpu.memory_space<vmem_shared>> -> memref<10240x16xf32, #tpu.memory_space<vmem_shared>>
      tpu.enqueue_indirect_dma source(%arg18 : memref<128x16xf32, #tpu.memory_space<vmem>>) target(%dma_start3A_184 : memref<10240x16xf32, #tpu.memory_space<vmem_shared>>) offsets(%dma_start3A_181 : memref<128xi32, #tpu.memory_space<vmem>>) semaphore(%arg30 : memref<!tpu.dma_semaphore, #tpu.memory_space<semaphore_mem>>) {add = true}
      %mul3A_185 = arith.constant 4 : i32
      %mul3A_186 = arith.muli %add3A_80, %mul3A_185 : i32
      %add3A_187 = arith.constant 2 : i32
      %add3A_188 = arith.addi %mul3A_186, %add3A_187 : i32
      %ge3A_189 = arith.constant 2 : i32
      %ge3A_190 = arith.cmpi sge, %add3A_188, %ge3A_189 : i32
      %convert_element_type3A_191 = arith.extui %ge3A_190 : i1 to i32
      %cond3A_192 = arith.constant 0 : i32
      %cond3A_193 = arith.cmpi ne, %convert_element_type3A_191, %cond3A_192 : i32
      scf.if %cond3A_193 {
        %dma_wait3A_291 = arith.constant 1 : i32
        %dma_wait3A_292 = arith.constant 0 : i32
        %dma_wait3A_293 = tpu.memref_slice %arg10[%dma_wait3A_291, %dma_wait3A_292] : memref<2x128xi32, #tpu.memory_space<vmem>> -> memref<1x128xi32, #tpu.memory_space<vmem>>
        %dma_wait3A_294 = tpu.memref_squeeze %dma_wait3A_293 : memref<1x128xi32, #tpu.memory_space<vmem>> -> memref<128xi32, #tpu.memory_space<vmem>>
        %dma_wait3A_295 = arith.constant 0 : i32
        %dma_wait3A_296 = arith.constant 0 : i32
        %dma_wait3A_297 = tpu.memref_slice %arg19[%dma_wait3A_295, %dma_wait3A_296] : memref<10000x128xf32, #tpu.memory_space<vmem_shared>> -> memref<10000x128xf32, #tpu.memory_space<vmem_shared>>
        tpu.wait_indirect_dma semaphore(%arg27 : memref<!tpu.dma_semaphore, #tpu.memory_space<semaphore_mem>>) src(%arg14 : memref<128x128xf32, #tpu.memory_space<vmem>>) dst(%dma_wait3A_297 : memref<10000x128xf32, #tpu.memory_space<vmem_shared>>)
        %dma_wait3A_298 = arith.constant 1 : i32
        %dma_wait3A_299 = arith.constant 0 : i32
        %dma_wait3A_300 = tpu.memref_slice %arg10[%dma_wait3A_298, %dma_wait3A_299] : memref<2x128xi32, #tpu.memory_space<vmem>> -> memref<1x128xi32, #tpu.memory_space<vmem>>
        %dma_wait3A_301 = tpu.memref_squeeze %dma_wait3A_300 : memref<1x128xi32, #tpu.memory_space<vmem>> -> memref<128xi32, #tpu.memory_space<vmem>>
        %dma_wait3A_302 = arith.constant 0 : i32
        %dma_wait3A_303 = arith.constant 0 : i32
        %dma_wait3A_304 = tpu.memref_slice %arg20[%dma_wait3A_302, %dma_wait3A_303] : memref<10240x16xf32, #tpu.memory_space<vmem_shared>> -> memref<10240x16xf32, #tpu.memory_space<vmem_shared>>
        tpu.wait_indirect_dma semaphore(%arg29 : memref<!tpu.dma_semaphore, #tpu.memory_space<semaphore_mem>>) src(%arg18 : memref<128x16xf32, #tpu.memory_space<vmem>>) dst(%dma_wait3A_304 : memref<10240x16xf32, #tpu.memory_space<vmem_shared>>)
      } else {
      }
      %add3A_194 = arith.constant 2 : i32
      %add3A_195 = arith.addi %add3A_188, %add3A_194 : i32
      %lt3A_196 = arith.constant 156 : i32
      %lt3A_197 = arith.cmpi slt, %add3A_195, %lt3A_196 : i32
      %convert_element_type3A_198 = arith.extui %lt3A_197 : i1 to i32
      %cond3A_199 = arith.constant 0 : i32
      %cond3A_200 = arith.cmpi ne, %convert_element_type3A_198, %cond3A_199 : i32
      scf.if %cond3A_200 {
        %add3A_291 = arith.constant 2 : i32
        %add3A_292 = arith.addi %add3A_188, %add3A_291 : i32
        %dma_start3A_293 = arith.constant 0 : i32
        %dma_start3A_294 = arith.constant 0 : i32
        %dma_start3A_295 = tpu.memref_slice %arg3[%add3A, %add3A_292, %dma_start3A_293, %dma_start3A_294] : memref<32x156x2x128xi32, #tpu.memory_space<hbm>> -> memref<1x1x2x128xi32, #tpu.memory_space<hbm>>
        %dma_start3A_296 = tpu.memref_squeeze %dma_start3A_295 : memref<1x1x2x128xi32, #tpu.memory_space<hbm>> -> memref<2x128xi32, #tpu.memory_space<hbm>>
        %dma_start3A_297 = arith.constant 0 : i32
        %dma_start3A_298 = arith.constant 0 : i32
        %dma_start3A_299 = tpu.memref_slice %arg3[%add3A, %add3A_292, %dma_start3A_297, %dma_start3A_298] : memref<32x156x2x128xi32, #tpu.memory_space<hbm>> -> memref<1x1x2x128xi32, #tpu.memory_space<hbm>>
        %dma_start3A_300 = tpu.memref_squeeze %dma_start3A_299 : memref<1x1x2x128xi32, #tpu.memory_space<hbm>> -> memref<2x128xi32, #tpu.memory_space<hbm>>
        tpu.enqueue_dma source(%dma_start3A_300 : memref<2x128xi32, #tpu.memory_space<hbm>>) target(%arg10 : memref<2x128xi32, #tpu.memory_space<vmem>>) target_semaphore(%arg21 : memref<!tpu.dma_semaphore, #tpu.memory_space<semaphore_mem>>)
      } else {
      }
      %dma_wait3A_201 = arith.constant 0 : i32
      %dma_wait3A_202 = arith.constant 0 : i32
      %dma_wait3A_203 = arith.constant 0 : i32
      %dma_wait3A_204 = tpu.memref_slice %arg3[%add3A, %dma_wait3A_201, %dma_wait3A_202, %dma_wait3A_203] : memref<32x156x2x128xi32, #tpu.memory_space<hbm>> -> memref<1x1x2x128xi32, #tpu.memory_space<hbm>>
      %dma_wait3A_205 = tpu.memref_squeeze %dma_wait3A_204 : memref<1x1x2x128xi32, #tpu.memory_space<hbm>> -> memref<2x128xi32, #tpu.memory_space<hbm>>
      %dma_wait3A_206 = arith.constant 0 : i32
      %dma_wait3A_207 = arith.constant 0 : i32
      %dma_wait3A_208 = tpu.memref_slice %arg3[%add3A, %dma_wait3A_201, %dma_wait3A_206, %dma_wait3A_207] : memref<32x156x2x128xi32, #tpu.memory_space<hbm>> -> memref<1x1x2x128xi32, #tpu.memory_space<hbm>>
      %dma_wait3A_209 = tpu.memref_squeeze %dma_wait3A_208 : memref<1x1x2x128xi32, #tpu.memory_space<hbm>> -> memref<2x128xi32, #tpu.memory_space<hbm>>
      tpu.wait_dma2 semaphore(%arg23 : memref<!tpu.dma_semaphore, #tpu.memory_space<semaphore_mem>>) src(%dma_wait3A_209 : memref<2x128xi32, #tpu.memory_space<hbm>>) dst(%arg12 : memref<2x128xi32, #tpu.memory_space<vmem>>)
      %dma_start3A_210 = arith.constant 0 : i32
      %dma_start3A_211 = arith.constant 0 : i32
      %dma_start3A_212 = tpu.memref_slice %arg12[%dma_start3A_210, %dma_start3A_211] : memref<2x128xi32, #tpu.memory_space<vmem>> -> memref<1x128xi32, #tpu.memory_space<vmem>>
      %dma_start3A_213 = tpu.memref_squeeze %dma_start3A_212 : memref<1x128xi32, #tpu.memory_space<vmem>> -> memref<128xi32, #tpu.memory_space<vmem>>
      %dma_start3A_214 = arith.constant 0 : i32
      %dma_start3A_215 = arith.constant 0 : i32
      %dma_start3A_216 = tpu.memref_slice %arg2[%dma_start3A_214, %dma_start3A_215] : memref<10000x128xf32, #tpu.memory_space<hbm>> -> memref<10000x128xf32, #tpu.memory_space<hbm>>
      tpu.enqueue_indirect_dma source(%dma_start3A_216 : memref<10000x128xf32, #tpu.memory_space<hbm>>) target(%arg14 : memref<128x128xf32, #tpu.memory_space<vmem>>) offsets(%dma_start3A_213 : memref<128xi32, #tpu.memory_space<vmem>>) semaphore(%arg25 : memref<!tpu.dma_semaphore, #tpu.memory_space<semaphore_mem>>)
      %dma_wait3A_217 = arith.constant 0 : i32
      %dma_wait3A_218 = arith.constant 0 : i32
      %dma_wait3A_219 = tpu.memref_slice %arg12[%dma_wait3A_217, %dma_wait3A_218] : memref<2x128xi32, #tpu.memory_space<vmem>> -> memref<1x128xi32, #tpu.memory_space<vmem>>
      %dma_wait3A_220 = tpu.memref_squeeze %dma_wait3A_219 : memref<1x128xi32, #tpu.memory_space<vmem>> -> memref<128xi32, #tpu.memory_space<vmem>>
      %dma_wait3A_221 = arith.constant 0 : i32
      %dma_wait3A_222 = arith.constant 0 : i32
      %dma_wait3A_223 = tpu.memref_slice %arg2[%dma_wait3A_221, %dma_wait3A_222] : memref<10000x128xf32, #tpu.memory_space<hbm>> -> memref<10000x128xf32, #tpu.memory_space<hbm>>
      tpu.wait_indirect_dma semaphore(%arg25 : memref<!tpu.dma_semaphore, #tpu.memory_space<semaphore_mem>>) src(%dma_wait3A_223 : memref<10000x128xf32, #tpu.memory_space<hbm>>) dst(%arg14 : memref<128x128xf32, #tpu.memory_space<vmem>>)
      %dma_start3A_224 = arith.constant 1 : i32
      %dma_start3A_225 = arith.constant 0 : i32
      %dma_start3A_226 = tpu.memref_slice %arg12[%dma_start3A_224, %dma_start3A_225] : memref<2x128xi32, #tpu.memory_space<vmem>> -> memref<1x128xi32, #tpu.memory_space<vmem>>
      %dma_start3A_227 = tpu.memref_squeeze %dma_start3A_226 : memref<1x128xi32, #tpu.memory_space<vmem>> -> memref<128xi32, #tpu.memory_space<vmem>>
      %dma_start3A_228 = arith.constant 0 : i32
      %dma_start3A_229 = arith.constant 0 : i32
      %dma_start3A_230 = tpu.memref_slice %arg19[%dma_start3A_228, %dma_start3A_229] : memref<10000x128xf32, #tpu.memory_space<vmem_shared>> -> memref<10000x128xf32, #tpu.memory_space<vmem_shared>>
      tpu.enqueue_indirect_dma source(%arg14 : memref<128x128xf32, #tpu.memory_space<vmem>>) target(%dma_start3A_230 : memref<10000x128xf32, #tpu.memory_space<vmem_shared>>) offsets(%dma_start3A_227 : memref<128xi32, #tpu.memory_space<vmem>>) semaphore(%arg27 : memref<!tpu.dma_semaphore, #tpu.memory_space<semaphore_mem>>) {add = true}
      %dma_start3A_231 = arith.constant 1 : i32
      %dma_start3A_232 = arith.constant 0 : i32
      %dma_start3A_233 = tpu.memref_slice %arg12[%dma_start3A_231, %dma_start3A_232] : memref<2x128xi32, #tpu.memory_space<vmem>> -> memref<1x128xi32, #tpu.memory_space<vmem>>
      %dma_start3A_234 = tpu.memref_squeeze %dma_start3A_233 : memref<1x128xi32, #tpu.memory_space<vmem>> -> memref<128xi32, #tpu.memory_space<vmem>>
      %dma_start3A_235 = arith.constant 0 : i32
      %dma_start3A_236 = arith.constant 0 : i32
      %dma_start3A_237 = tpu.memref_slice %arg20[%dma_start3A_235, %dma_start3A_236] : memref<10240x16xf32, #tpu.memory_space<vmem_shared>> -> memref<10240x16xf32, #tpu.memory_space<vmem_shared>>
      tpu.enqueue_indirect_dma source(%arg18 : memref<128x16xf32, #tpu.memory_space<vmem>>) target(%dma_start3A_237 : memref<10240x16xf32, #tpu.memory_space<vmem_shared>>) offsets(%dma_start3A_234 : memref<128xi32, #tpu.memory_space<vmem>>) semaphore(%arg29 : memref<!tpu.dma_semaphore, #tpu.memory_space<semaphore_mem>>) {add = true}
      %mul3A_238 = arith.constant 4 : i32
      %mul3A_239 = arith.muli %add3A_80, %mul3A_238 : i32
      %add3A_240 = arith.constant 3 : i32
      %add3A_241 = arith.addi %mul3A_239, %add3A_240 : i32
      %ge3A_242 = arith.constant 2 : i32
      %ge3A_243 = arith.cmpi sge, %add3A_241, %ge3A_242 : i32
      %convert_element_type3A_244 = arith.extui %ge3A_243 : i1 to i32
      %cond3A_245 = arith.constant 0 : i32
      %cond3A_246 = arith.cmpi ne, %convert_element_type3A_244, %cond3A_245 : i32
      scf.if %cond3A_246 {
        %dma_wait3A_291 = arith.constant 1 : i32
        %dma_wait3A_292 = arith.constant 0 : i32
        %dma_wait3A_293 = tpu.memref_slice %arg11[%dma_wait3A_291, %dma_wait3A_292] : memref<2x128xi32, #tpu.memory_space<vmem>> -> memref<1x128xi32, #tpu.memory_space<vmem>>
        %dma_wait3A_294 = tpu.memref_squeeze %dma_wait3A_293 : memref<1x128xi32, #tpu.memory_space<vmem>> -> memref<128xi32, #tpu.memory_space<vmem>>
        %dma_wait3A_295 = arith.constant 0 : i32
        %dma_wait3A_296 = arith.constant 0 : i32
        %dma_wait3A_297 = tpu.memref_slice %arg19[%dma_wait3A_295, %dma_wait3A_296] : memref<10000x128xf32, #tpu.memory_space<vmem_shared>> -> memref<10000x128xf32, #tpu.memory_space<vmem_shared>>
        tpu.wait_indirect_dma semaphore(%arg28 : memref<!tpu.dma_semaphore, #tpu.memory_space<semaphore_mem>>) src(%arg15 : memref<128x128xf32, #tpu.memory_space<vmem>>) dst(%dma_wait3A_297 : memref<10000x128xf32, #tpu.memory_space<vmem_shared>>)
        %dma_wait3A_298 = arith.constant 1 : i32
        %dma_wait3A_299 = arith.constant 0 : i32
        %dma_wait3A_300 = tpu.memref_slice %arg11[%dma_wait3A_298, %dma_wait3A_299] : memref<2x128xi32, #tpu.memory_space<vmem>> -> memref<1x128xi32, #tpu.memory_space<vmem>>
        %dma_wait3A_301 = tpu.memref_squeeze %dma_wait3A_300 : memref<1x128xi32, #tpu.memory_space<vmem>> -> memref<128xi32, #tpu.memory_space<vmem>>
        %dma_wait3A_302 = arith.constant 0 : i32
        %dma_wait3A_303 = arith.constant 0 : i32
        %dma_wait3A_304 = tpu.memref_slice %arg20[%dma_wait3A_302, %dma_wait3A_303] : memref<10240x16xf32, #tpu.memory_space<vmem_shared>> -> memref<10240x16xf32, #tpu.memory_space<vmem_shared>>
        tpu.wait_indirect_dma semaphore(%arg30 : memref<!tpu.dma_semaphore, #tpu.memory_space<semaphore_mem>>) src(%arg18 : memref<128x16xf32, #tpu.memory_space<vmem>>) dst(%dma_wait3A_304 : memref<10240x16xf32, #tpu.memory_space<vmem_shared>>)
      } else {
      }
      %add3A_247 = arith.constant 2 : i32
      %add3A_248 = arith.addi %add3A_241, %add3A_247 : i32
      %lt3A_249 = arith.constant 156 : i32
      %lt3A_250 = arith.cmpi slt, %add3A_248, %lt3A_249 : i32
      %convert_element_type3A_251 = arith.extui %lt3A_250 : i1 to i32
      %cond3A_252 = arith.constant 0 : i32
      %cond3A_253 = arith.cmpi ne, %convert_element_type3A_251, %cond3A_252 : i32
      scf.if %cond3A_253 {
        %add3A_291 = arith.constant 2 : i32
        %add3A_292 = arith.addi %add3A_241, %add3A_291 : i32
        %dma_start3A_293 = arith.constant 0 : i32
        %dma_start3A_294 = arith.constant 0 : i32
        %dma_start3A_295 = tpu.memref_slice %arg3[%add3A, %add3A_292, %dma_start3A_293, %dma_start3A_294] : memref<32x156x2x128xi32, #tpu.memory_space<hbm>> -> memref<1x1x2x128xi32, #tpu.memory_space<hbm>>
        %dma_start3A_296 = tpu.memref_squeeze %dma_start3A_295 : memref<1x1x2x128xi32, #tpu.memory_space<hbm>> -> memref<2x128xi32, #tpu.memory_space<hbm>>
        %dma_start3A_297 = arith.constant 0 : i32
        %dma_start3A_298 = arith.constant 0 : i32
        %dma_start3A_299 = tpu.memref_slice %arg3[%add3A, %add3A_292, %dma_start3A_297, %dma_start3A_298] : memref<32x156x2x128xi32, #tpu.memory_space<hbm>> -> memref<1x1x2x128xi32, #tpu.memory_space<hbm>>
        %dma_start3A_300 = tpu.memref_squeeze %dma_start3A_299 : memref<1x1x2x128xi32, #tpu.memory_space<hbm>> -> memref<2x128xi32, #tpu.memory_space<hbm>>
        tpu.enqueue_dma source(%dma_start3A_300 : memref<2x128xi32, #tpu.memory_space<hbm>>) target(%arg11 : memref<2x128xi32, #tpu.memory_space<vmem>>) target_semaphore(%arg22 : memref<!tpu.dma_semaphore, #tpu.memory_space<semaphore_mem>>)
      } else {
      }
      %dma_wait3A_254 = arith.constant 0 : i32
      %dma_wait3A_255 = arith.constant 0 : i32
      %dma_wait3A_256 = arith.constant 0 : i32
      %dma_wait3A_257 = tpu.memref_slice %arg3[%add3A, %dma_wait3A_254, %dma_wait3A_255, %dma_wait3A_256] : memref<32x156x2x128xi32, #tpu.memory_space<hbm>> -> memref<1x1x2x128xi32, #tpu.memory_space<hbm>>
      %dma_wait3A_258 = tpu.memref_squeeze %dma_wait3A_257 : memref<1x1x2x128xi32, #tpu.memory_space<hbm>> -> memref<2x128xi32, #tpu.memory_space<hbm>>
      %dma_wait3A_259 = arith.constant 0 : i32
      %dma_wait3A_260 = arith.constant 0 : i32
      %dma_wait3A_261 = tpu.memref_slice %arg3[%add3A, %dma_wait3A_254, %dma_wait3A_259, %dma_wait3A_260] : memref<32x156x2x128xi32, #tpu.memory_space<hbm>> -> memref<1x1x2x128xi32, #tpu.memory_space<hbm>>
      %dma_wait3A_262 = tpu.memref_squeeze %dma_wait3A_261 : memref<1x1x2x128xi32, #tpu.memory_space<hbm>> -> memref<2x128xi32, #tpu.memory_space<hbm>>
      tpu.wait_dma2 semaphore(%arg24 : memref<!tpu.dma_semaphore, #tpu.memory_space<semaphore_mem>>) src(%dma_wait3A_262 : memref<2x128xi32, #tpu.memory_space<hbm>>) dst(%arg13 : memref<2x128xi32, #tpu.memory_space<vmem>>)
      %dma_start3A_263 = arith.constant 0 : i32
      %dma_start3A_264 = arith.constant 0 : i32
      %dma_start3A_265 = tpu.memref_slice %arg13[%dma_start3A_263, %dma_start3A_264] : memref<2x128xi32, #tpu.memory_space<vmem>> -> memref<1x128xi32, #tpu.memory_space<vmem>>
      %dma_start3A_266 = tpu.memref_squeeze %dma_start3A_265 : memref<1x128xi32, #tpu.memory_space<vmem>> -> memref<128xi32, #tpu.memory_space<vmem>>
      %dma_start3A_267 = arith.constant 0 : i32
      %dma_start3A_268 = arith.constant 0 : i32
      %dma_start3A_269 = tpu.memref_slice %arg2[%dma_start3A_267, %dma_start3A_268] : memref<10000x128xf32, #tpu.memory_space<hbm>> -> memref<10000x128xf32, #tpu.memory_space<hbm>>
      tpu.enqueue_indirect_dma source(%dma_start3A_269 : memref<10000x128xf32, #tpu.memory_space<hbm>>) target(%arg15 : memref<128x128xf32, #tpu.memory_space<vmem>>) offsets(%dma_start3A_266 : memref<128xi32, #tpu.memory_space<vmem>>) semaphore(%arg26 : memref<!tpu.dma_semaphore, #tpu.memory_space<semaphore_mem>>)
      %dma_wait3A_270 = arith.constant 0 : i32
      %dma_wait3A_271 = arith.constant 0 : i32
      %dma_wait3A_272 = tpu.memref_slice %arg13[%dma_wait3A_270, %dma_wait3A_271] : memref<2x128xi32, #tpu.memory_space<vmem>> -> memref<1x128xi32, #tpu.memory_space<vmem>>
      %dma_wait3A_273 = tpu.memref_squeeze %dma_wait3A_272 : memref<1x128xi32, #tpu.memory_space<vmem>> -> memref<128xi32, #tpu.memory_space<vmem>>
      %dma_wait3A_274 = arith.constant 0 : i32
      %dma_wait3A_275 = arith.constant 0 : i32
      %dma_wait3A_276 = tpu.memref_slice %arg2[%dma_wait3A_274, %dma_wait3A_275] : memref<10000x128xf32, #tpu.memory_space<hbm>> -> memref<10000x128xf32, #tpu.memory_space<hbm>>
      tpu.wait_indirect_dma semaphore(%arg26 : memref<!tpu.dma_semaphore, #tpu.memory_space<semaphore_mem>>) src(%dma_wait3A_276 : memref<10000x128xf32, #tpu.memory_space<hbm>>) dst(%arg15 : memref<128x128xf32, #tpu.memory_space<vmem>>)
      %dma_start3A_277 = arith.constant 1 : i32
      %dma_start3A_278 = arith.constant 0 : i32
      %dma_start3A_279 = tpu.memref_slice %arg13[%dma_start3A_277, %dma_start3A_278] : memref<2x128xi32, #tpu.memory_space<vmem>> -> memref<1x128xi32, #tpu.memory_space<vmem>>
      %dma_start3A_280 = tpu.memref_squeeze %dma_start3A_279 : memref<1x128xi32, #tpu.memory_space<vmem>> -> memref<128xi32, #tpu.memory_space<vmem>>
      %dma_start3A_281 = arith.constant 0 : i32
      %dma_start3A_282 = arith.constant 0 : i32
      %dma_start3A_283 = tpu.memref_slice %arg19[%dma_start3A_281, %dma_start3A_282] : memref<10000x128xf32, #tpu.memory_space<vmem_shared>> -> memref<10000x128xf32, #tpu.memory_space<vmem_shared>>
      tpu.enqueue_indirect_dma source(%arg15 : memref<128x128xf32, #tpu.memory_space<vmem>>) target(%dma_start3A_283 : memref<10000x128xf32, #tpu.memory_space<vmem_shared>>) offsets(%dma_start3A_280 : memref<128xi32, #tpu.memory_space<vmem>>) semaphore(%arg28 : memref<!tpu.dma_semaphore, #tpu.memory_space<semaphore_mem>>) {add = true}
      %dma_start3A_284 = arith.constant 1 : i32
      %dma_start3A_285 = arith.constant 0 : i32
      %dma_start3A_286 = tpu.memref_slice %arg13[%dma_start3A_284, %dma_start3A_285] : memref<2x128xi32, #tpu.memory_space<vmem>> -> memref<1x128xi32, #tpu.memory_space<vmem>>
      %dma_start3A_287 = tpu.memref_squeeze %dma_start3A_286 : memref<1x128xi32, #tpu.memory_space<vmem>> -> memref<128xi32, #tpu.memory_space<vmem>>
      %dma_start3A_288 = arith.constant 0 : i32
      %dma_start3A_289 = arith.constant 0 : i32
      %dma_start3A_290 = tpu.memref_slice %arg20[%dma_start3A_288, %dma_start3A_289] : memref<10240x16xf32, #tpu.memory_space<vmem_shared>> -> memref<10240x16xf32, #tpu.memory_space<vmem_shared>>
      tpu.enqueue_indirect_dma source(%arg18 : memref<128x16xf32, #tpu.memory_space<vmem>>) target(%dma_start3A_290 : memref<10240x16xf32, #tpu.memory_space<vmem_shared>>) offsets(%dma_start3A_287 : memref<128xi32, #tpu.memory_space<vmem>>) semaphore(%arg30 : memref<!tpu.dma_semaphore, #tpu.memory_space<semaphore_mem>>) {add = true}
    }
    %scan3A_27 = arith.constant 39 : i32
    %dma_wait3A = arith.constant 1 : i32
    %dma_wait3A_28 = arith.constant 0 : i32
    %dma_wait3A_29 = tpu.memref_slice %arg12[%dma_wait3A, %dma_wait3A_28] : memref<2x128xi32, #tpu.memory_space<vmem>> -> memref<1x128xi32, #tpu.memory_space<vmem>>
    %dma_wait3A_30 = tpu.memref_squeeze %dma_wait3A_29 : memref<1x128xi32, #tpu.memory_space<vmem>> -> memref<128xi32, #tpu.memory_space<vmem>>
    %dma_wait3A_31 = arith.constant 0 : i32
    %dma_wait3A_32 = arith.constant 0 : i32
    %dma_wait3A_33 = tpu.memref_slice %arg19[%dma_wait3A_31, %dma_wait3A_32] : memref<10000x128xf32, #tpu.memory_space<vmem_shared>> -> memref<10000x128xf32, #tpu.memory_space<vmem_shared>>
    tpu.wait_indirect_dma semaphore(%arg27 : memref<!tpu.dma_semaphore, #tpu.memory_space<semaphore_mem>>) src(%arg14 : memref<128x128xf32, #tpu.memory_space<vmem>>) dst(%dma_wait3A_33 : memref<10000x128xf32, #tpu.memory_space<vmem_shared>>)
    %dma_wait3A_34 = arith.constant 1 : i32
    %dma_wait3A_35 = arith.constant 0 : i32
    %dma_wait3A_36 = tpu.memref_slice %arg12[%dma_wait3A_34, %dma_wait3A_35] : memref<2x128xi32, #tpu.memory_space<vmem>> -> memref<1x128xi32, #tpu.memory_space<vmem>>
    %dma_wait3A_37 = tpu.memref_squeeze %dma_wait3A_36 : memref<1x128xi32, #tpu.memory_space<vmem>> -> memref<128xi32, #tpu.memory_space<vmem>>
    %dma_wait3A_38 = arith.constant 0 : i32
    %dma_wait3A_39 = arith.constant 0 : i32
    %dma_wait3A_40 = tpu.memref_slice %arg20[%dma_wait3A_38, %dma_wait3A_39] : memref<10240x16xf32, #tpu.memory_space<vmem_shared>> -> memref<10240x16xf32, #tpu.memory_space<vmem_shared>>
    tpu.wait_indirect_dma semaphore(%arg29 : memref<!tpu.dma_semaphore, #tpu.memory_space<semaphore_mem>>) src(%arg18 : memref<128x16xf32, #tpu.memory_space<vmem>>) dst(%dma_wait3A_40 : memref<10240x16xf32, #tpu.memory_space<vmem_shared>>)
    %dma_wait3A_41 = arith.constant 1 : i32
    %dma_wait3A_42 = arith.constant 0 : i32
    %dma_wait3A_43 = tpu.memref_slice %arg13[%dma_wait3A_41, %dma_wait3A_42] : memref<2x128xi32, #tpu.memory_space<vmem>> -> memref<1x128xi32, #tpu.memory_space<vmem>>
    %dma_wait3A_44 = tpu.memref_squeeze %dma_wait3A_43 : memref<1x128xi32, #tpu.memory_space<vmem>> -> memref<128xi32, #tpu.memory_space<vmem>>
    %dma_wait3A_45 = arith.constant 0 : i32
    %dma_wait3A_46 = arith.constant 0 : i32
    %dma_wait3A_47 = tpu.memref_slice %arg19[%dma_wait3A_45, %dma_wait3A_46] : memref<10000x128xf32, #tpu.memory_space<vmem_shared>> -> memref<10000x128xf32, #tpu.memory_space<vmem_shared>>
    tpu.wait_indirect_dma semaphore(%arg28 : memref<!tpu.dma_semaphore, #tpu.memory_space<semaphore_mem>>) src(%arg15 : memref<128x128xf32, #tpu.memory_space<vmem>>) dst(%dma_wait3A_47 : memref<10000x128xf32, #tpu.memory_space<vmem_shared>>)
    %dma_wait3A_48 = arith.constant 1 : i32
    %dma_wait3A_49 = arith.constant 0 : i32
    %dma_wait3A_50 = tpu.memref_slice %arg13[%dma_wait3A_48, %dma_wait3A_49] : memref<2x128xi32, #tpu.memory_space<vmem>> -> memref<1x128xi32, #tpu.memory_space<vmem>>
    %dma_wait3A_51 = tpu.memref_squeeze %dma_wait3A_50 : memref<1x128xi32, #tpu.memory_space<vmem>> -> memref<128xi32, #tpu.memory_space<vmem>>
    %dma_wait3A_52 = arith.constant 0 : i32
    %dma_wait3A_53 = arith.constant 0 : i32
    %dma_wait3A_54 = tpu.memref_slice %arg20[%dma_wait3A_52, %dma_wait3A_53] : memref<10240x16xf32, #tpu.memory_space<vmem_shared>> -> memref<10240x16xf32, #tpu.memory_space<vmem_shared>>
    tpu.wait_indirect_dma semaphore(%arg30 : memref<!tpu.dma_semaphore, #tpu.memory_space<semaphore_mem>>) src(%arg18 : memref<128x16xf32, #tpu.memory_space<vmem>>) dst(%dma_wait3A_54 : memref<10240x16xf32, #tpu.memory_space<vmem_shared>>)
    "tpu.region"() ({
      %run_scoped3A_76 = tpu.sem_alloc : memref<!tpu.dma_semaphore, #tpu.memory_space<semaphore_mem>>
      %dma_start3A_77 = arith.constant 0 : i32
      %dma_start3A_78 = arith.constant 0 : i32
      %dma_start3A_79 = tpu.memref_slice %arg4[%add3A, %dma_start3A_77, %dma_start3A_78] : memref<32x2x32xi32, #tpu.memory_space<hbm>> -> memref<1x2x32xi32, #tpu.memory_space<hbm>>
      %dma_start3A_80 = tpu.memref_squeeze %dma_start3A_79 : memref<1x2x32xi32, #tpu.memory_space<hbm>> -> memref<2x32xi32, #tpu.memory_space<hbm>>
      %dma_start3A_81 = arith.constant 0 : i32
      %dma_start3A_82 = arith.constant 0 : i32
      %dma_start3A_83 = tpu.memref_slice %arg4[%add3A, %dma_start3A_81, %dma_start3A_82] : memref<32x2x32xi32, #tpu.memory_space<hbm>> -> memref<1x2x32xi32, #tpu.memory_space<hbm>>
      %dma_start3A_84 = tpu.memref_squeeze %dma_start3A_83 : memref<1x2x32xi32, #tpu.memory_space<hbm>> -> memref<2x32xi32, #tpu.memory_space<hbm>>
      tpu.enqueue_dma source(%dma_start3A_84 : memref<2x32xi32, #tpu.memory_space<hbm>>) target(%arg16 : memref<2x32xi32, #tpu.memory_space<vmem>>) target_semaphore(%run_scoped3A_76 : memref<!tpu.dma_semaphore, #tpu.memory_space<semaphore_mem>>)
      %dma_wait3A_85 = arith.constant 0 : i32
      %dma_wait3A_86 = arith.constant 0 : i32
      %dma_wait3A_87 = tpu.memref_slice %arg4[%add3A, %dma_wait3A_85, %dma_wait3A_86] : memref<32x2x32xi32, #tpu.memory_space<hbm>> -> memref<1x2x32xi32, #tpu.memory_space<hbm>>
      %dma_wait3A_88 = tpu.memref_squeeze %dma_wait3A_87 : memref<1x2x32xi32, #tpu.memory_space<hbm>> -> memref<2x32xi32, #tpu.memory_space<hbm>>
      %dma_wait3A_89 = arith.constant 0 : i32
      %dma_wait3A_90 = arith.constant 0 : i32
      %dma_wait3A_91 = tpu.memref_slice %arg4[%add3A, %dma_wait3A_89, %dma_wait3A_90] : memref<32x2x32xi32, #tpu.memory_space<hbm>> -> memref<1x2x32xi32, #tpu.memory_space<hbm>>
      %dma_wait3A_92 = tpu.memref_squeeze %dma_wait3A_91 : memref<1x2x32xi32, #tpu.memory_space<hbm>> -> memref<2x32xi32, #tpu.memory_space<hbm>>
      tpu.wait_dma2 semaphore(%run_scoped3A_76 : memref<!tpu.dma_semaphore, #tpu.memory_space<semaphore_mem>>) src(%dma_wait3A_92 : memref<2x32xi32, #tpu.memory_space<hbm>>) dst(%arg16 : memref<2x32xi32, #tpu.memory_space<vmem>>)
      tpu.yield
    }) : () -> ()
    %dma_start3A_55 = arith.constant 0 : i32
    %dma_start3A_56 = arith.constant 0 : i32
    %dma_start3A_57 = tpu.memref_slice %arg16[%dma_start3A_55, %dma_start3A_56] : memref<2x32xi32, #tpu.memory_space<vmem>> -> memref<1x32xi32, #tpu.memory_space<vmem>>
    %dma_start3A_58 = tpu.memref_squeeze %dma_start3A_57 : memref<1x32xi32, #tpu.memory_space<vmem>> -> memref<32xi32, #tpu.memory_space<vmem>>
    %dma_start3A_59 = arith.constant 0 : i32
    %dma_start3A_60 = arith.constant 0 : i32
    %dma_start3A_61 = tpu.memref_slice %arg2[%dma_start3A_59, %dma_start3A_60] : memref<10000x128xf32, #tpu.memory_space<hbm>> -> memref<10000x128xf32, #tpu.memory_space<hbm>>
    tpu.enqueue_indirect_dma source(%dma_start3A_61 : memref<10000x128xf32, #tpu.memory_space<hbm>>) target(%arg17 : memref<32x128xf32, #tpu.memory_space<vmem>>) offsets(%dma_start3A_58 : memref<32xi32, #tpu.memory_space<vmem>>) semaphore(%arg25 : memref<!tpu.dma_semaphore, #tpu.memory_space<semaphore_mem>>)
    %dma_wait3A_62 = arith.constant 0 : i32
    %dma_wait3A_63 = arith.constant 0 : i32
    %dma_wait3A_64 = tpu.memref_slice %arg16[%dma_wait3A_62, %dma_wait3A_63] : memref<2x32xi32, #tpu.memory_space<vmem>> -> memref<1x32xi32, #tpu.memory_space<vmem>>
    %dma_wait3A_65 = tpu.memref_squeeze %dma_wait3A_64 : memref<1x32xi32, #tpu.memory_space<vmem>> -> memref<32xi32, #tpu.memory_space<vmem>>
    %dma_wait3A_66 = arith.constant 0 : i32
    %dma_wait3A_67 = arith.constant 0 : i32
    %dma_wait3A_68 = tpu.memref_slice %arg2[%dma_wait3A_66, %dma_wait3A_67] : memref<10000x128xf32, #tpu.memory_space<hbm>> -> memref<10000x128xf32, #tpu.memory_space<hbm>>
    tpu.wait_indirect_dma semaphore(%arg25 : memref<!tpu.dma_semaphore, #tpu.memory_space<semaphore_mem>>) src(%dma_wait3A_68 : memref<10000x128xf32, #tpu.memory_space<hbm>>) dst(%arg17 : memref<32x128xf32, #tpu.memory_space<vmem>>)
    %run_scoped3A = arith.constant 1 : i32
    "tpu.region"() ({
      %run_scoped3A_76 = tpu.sem_alloc : memref<!tpu.dma_semaphore, #tpu.memory_space<semaphore_mem>>
      %dma_start3A_77 = arith.constant 0 : i32
      %dma_start3A_78 = tpu.memref_slice %arg16[%run_scoped3A, %dma_start3A_77] : memref<2x32xi32, #tpu.memory_space<vmem>> -> memref<1x32xi32, #tpu.memory_space<vmem>>
      %dma_start3A_79 = tpu.memref_squeeze %dma_start3A_78 : memref<1x32xi32, #tpu.memory_space<vmem>> -> memref<32xi32, #tpu.memory_space<vmem>>
      %dma_start3A_80 = arith.constant 0 : i32
      %dma_start3A_81 = arith.constant 0 : i32
      %dma_start3A_82 = tpu.memref_slice %arg19[%dma_start3A_80, %dma_start3A_81] : memref<10000x128xf32, #tpu.memory_space<vmem_shared>> -> memref<10000x128xf32, #tpu.memory_space<vmem_shared>>
      tpu.enqueue_indirect_dma source(%arg17 : memref<32x128xf32, #tpu.memory_space<vmem>>) target(%dma_start3A_82 : memref<10000x128xf32, #tpu.memory_space<vmem_shared>>) offsets(%dma_start3A_79 : memref<32xi32, #tpu.memory_space<vmem>>) semaphore(%run_scoped3A_76 : memref<!tpu.dma_semaphore, #tpu.memory_space<semaphore_mem>>) {add = true}
      %dma_wait3A_83 = arith.constant 0 : i32
      %dma_wait3A_84 = tpu.memref_slice %arg16[%run_scoped3A, %dma_wait3A_83] : memref<2x32xi32, #tpu.memory_space<vmem>> -> memref<1x32xi32, #tpu.memory_space<vmem>>
      %dma_wait3A_85 = tpu.memref_squeeze %dma_wait3A_84 : memref<1x32xi32, #tpu.memory_space<vmem>> -> memref<32xi32, #tpu.memory_space<vmem>>
      %dma_wait3A_86 = arith.constant 0 : i32
      %dma_wait3A_87 = arith.constant 0 : i32
      %dma_wait3A_88 = tpu.memref_slice %arg19[%dma_wait3A_86, %dma_wait3A_87] : memref<10000x128xf32, #tpu.memory_space<vmem_shared>> -> memref<10000x128xf32, #tpu.memory_space<vmem_shared>>
      tpu.wait_indirect_dma semaphore(%run_scoped3A_76 : memref<!tpu.dma_semaphore, #tpu.memory_space<semaphore_mem>>) src(%arg17 : memref<32x128xf32, #tpu.memory_space<vmem>>) dst(%dma_wait3A_88 : memref<10000x128xf32, #tpu.memory_space<vmem_shared>>)
      tpu.yield
    }) : () -> ()
    %run_scoped3A_69 = arith.constant 1 : i32
    "tpu.region"() ({
      %run_scoped3A_76 = tpu.sem_alloc : memref<!tpu.dma_semaphore, #tpu.memory_space<semaphore_mem>>
      %dma_start3A_77 = arith.constant 0 : i32
      %dma_start3A_78 = arith.constant 0 : i32
      %dma_start3A_79 = tpu.memref_slice %arg18[%dma_start3A_77, %dma_start3A_78] : memref<128x16xf32, #tpu.memory_space<vmem>> -> memref<32x16xf32, #tpu.memory_space<vmem>>
      %dma_start3A_80 = arith.constant 0 : i32
      %dma_start3A_81 = tpu.memref_slice %arg16[%run_scoped3A_69, %dma_start3A_80] : memref<2x32xi32, #tpu.memory_space<vmem>> -> memref<1x32xi32, #tpu.memory_space<vmem>>
      %dma_start3A_82 = tpu.memref_squeeze %dma_start3A_81 : memref<1x32xi32, #tpu.memory_space<vmem>> -> memref<32xi32, #tpu.memory_space<vmem>>
      %dma_start3A_83 = arith.constant 0 : i32
      %dma_start3A_84 = arith.constant 0 : i32
      %dma_start3A_85 = tpu.memref_slice %arg20[%dma_start3A_83, %dma_start3A_84] : memref<10240x16xf32, #tpu.memory_space<vmem_shared>> -> memref<10240x16xf32, #tpu.memory_space<vmem_shared>>
      tpu.enqueue_indirect_dma source(%dma_start3A_79 : memref<32x16xf32, #tpu.memory_space<vmem>>) target(%dma_start3A_85 : memref<10240x16xf32, #tpu.memory_space<vmem_shared>>) offsets(%dma_start3A_82 : memref<32xi32, #tpu.memory_space<vmem>>) semaphore(%run_scoped3A_76 : memref<!tpu.dma_semaphore, #tpu.memory_space<semaphore_mem>>) {add = true}
      %dma_wait3A_86 = arith.constant 0 : i32
      %dma_wait3A_87 = arith.constant 0 : i32
      %dma_wait3A_88 = tpu.memref_slice %arg18[%dma_wait3A_86, %dma_wait3A_87] : memref<128x16xf32, #tpu.memory_space<vmem>> -> memref<32x16xf32, #tpu.memory_space<vmem>>
      %dma_wait3A_89 = arith.constant 0 : i32
      %dma_wait3A_90 = tpu.memref_slice %arg16[%run_scoped3A_69, %dma_wait3A_89] : memref<2x32xi32, #tpu.memory_space<vmem>> -> memref<1x32xi32, #tpu.memory_space<vmem>>
      %dma_wait3A_91 = tpu.memref_squeeze %dma_wait3A_90 : memref<1x32xi32, #tpu.memory_space<vmem>> -> memref<32xi32, #tpu.memory_space<vmem>>
      %dma_wait3A_92 = arith.constant 0 : i32
      %dma_wait3A_93 = arith.constant 0 : i32
      %dma_wait3A_94 = tpu.memref_slice %arg20[%dma_wait3A_92, %dma_wait3A_93] : memref<10240x16xf32, #tpu.memory_space<vmem_shared>> -> memref<10240x16xf32, #tpu.memory_space<vmem_shared>>
      tpu.wait_indirect_dma semaphore(%run_scoped3A_76 : memref<!tpu.dma_semaphore, #tpu.memory_space<semaphore_mem>>) src(%dma_wait3A_88 : memref<32x16xf32, #tpu.memory_space<vmem>>) dst(%dma_wait3A_94 : memref<10240x16xf32, #tpu.memory_space<vmem_shared>>)
      tpu.yield
    }) : () -> ()
    %barrier3A_70 = arith.constant 0 : index
    tpu.barrier barrier_id(%barrier3A_70)
    "tpu.region"() ({
      %run_scoped3A_76 = tpu.sem_alloc : memref<!tpu.dma_semaphore, #tpu.memory_space<semaphore_mem>>
      %dma_start3A_77 = arith.constant 0 : i32
      %dma_start3A_78 = tpu.memref_slice %arg8[%arg0, %mul3A_2, %dma_start3A_77] : memref<2x10000x128xf32, #tpu.memory_space<hbm>> -> memref<1x624x128xf32, #tpu.memory_space<hbm>>
      %dma_start3A_79 = tpu.memref_squeeze %dma_start3A_78 : memref<1x624x128xf32, #tpu.memory_space<hbm>> -> memref<624x128xf32, #tpu.memory_space<hbm>>
      %dma_start3A_80 = arith.constant 0 : i32
      %dma_start3A_81 = tpu.memref_slice %arg19[%mul3A_2, %dma_start3A_80] : memref<10000x128xf32, #tpu.memory_space<vmem_shared>> -> memref<624x128xf32, #tpu.memory_space<vmem_shared>>
      tpu.enqueue_dma source(%dma_start3A_81 : memref<624x128xf32, #tpu.memory_space<vmem_shared>>) target(%dma_start3A_79 : memref<624x128xf32, #tpu.memory_space<hbm>>) target_semaphore(%run_scoped3A_76 : memref<!tpu.dma_semaphore, #tpu.memory_space<semaphore_mem>>)
      %dma_wait3A_82 = arith.constant 0 : i32
      %dma_wait3A_83 = tpu.memref_slice %arg8[%arg0, %mul3A_2, %dma_wait3A_82] : memref<2x10000x128xf32, #tpu.memory_space<hbm>> -> memref<1x624x128xf32, #tpu.memory_space<hbm>>
      %dma_wait3A_84 = tpu.memref_squeeze %dma_wait3A_83 : memref<1x624x128xf32, #tpu.memory_space<hbm>> -> memref<624x128xf32, #tpu.memory_space<hbm>>
      %dma_wait3A_85 = arith.constant 0 : i32
      %dma_wait3A_86 = tpu.memref_slice %arg19[%mul3A_2, %dma_wait3A_85] : memref<10000x128xf32, #tpu.memory_space<vmem_shared>> -> memref<624x128xf32, #tpu.memory_space<vmem_shared>>
      tpu.wait_dma2 semaphore(%run_scoped3A_76 : memref<!tpu.dma_semaphore, #tpu.memory_space<semaphore_mem>>) src(%dma_wait3A_86 : memref<624x128xf32, #tpu.memory_space<vmem_shared>>) dst(%dma_wait3A_84 : memref<624x128xf32, #tpu.memory_space<hbm>>)
      tpu.yield
    }) : () -> ()
    %eq3A_71 = arith.constant 15 : i32
    %eq3A_72 = arith.cmpi eq, %arg1, %eq3A_71 : i32
    %convert_element_type3A_73 = arith.extui %eq3A_72 : i1 to i32
    %cond3A_74 = arith.constant 0 : i32
    %cond3A_75 = arith.cmpi ne, %convert_element_type3A_73, %cond3A_74 : i32
    scf.if %cond3A_75 {
      "tpu.region"() ({
        %run_scoped3A_76 = tpu.sem_alloc : memref<!tpu.dma_semaphore, #tpu.memory_space<semaphore_mem>>
        %dma_start3A_77 = arith.constant 9984 : i32
        %dma_start3A_78 = arith.constant 0 : i32
        %dma_start3A_79 = tpu.memref_slice %arg8[%arg0, %dma_start3A_77, %dma_start3A_78] : memref<2x10000x128xf32, #tpu.memory_space<hbm>> -> memref<1x16x128xf32, #tpu.memory_space<hbm>>
        %dma_start3A_80 = tpu.memref_squeeze %dma_start3A_79 : memref<1x16x128xf32, #tpu.memory_space<hbm>> -> memref<16x128xf32, #tpu.memory_space<hbm>>
        %dma_start3A_81 = arith.constant 9984 : i32
        %dma_start3A_82 = arith.constant 0 : i32
        %dma_start3A_83 = tpu.memref_slice %arg19[%dma_start3A_81, %dma_start3A_82] : memref<10000x128xf32, #tpu.memory_space<vmem_shared>> -> memref<16x128xf32, #tpu.memory_space<vmem_shared>>
        tpu.enqueue_dma source(%dma_start3A_83 : memref<16x128xf32, #tpu.memory_space<vmem_shared>>) target(%dma_start3A_80 : memref<16x128xf32, #tpu.memory_space<hbm>>) target_semaphore(%run_scoped3A_76 : memref<!tpu.dma_semaphore, #tpu.memory_space<semaphore_mem>>)
        %dma_wait3A_84 = arith.constant 9984 : i32
        %dma_wait3A_85 = arith.constant 0 : i32
        %dma_wait3A_86 = tpu.memref_slice %arg8[%arg0, %dma_wait3A_84, %dma_wait3A_85] : memref<2x10000x128xf32, #tpu.memory_space<hbm>> -> memref<1x16x128xf32, #tpu.memory_space<hbm>>
        %dma_wait3A_87 = tpu.memref_squeeze %dma_wait3A_86 : memref<1x16x128xf32, #tpu.memory_space<hbm>> -> memref<16x128xf32, #tpu.memory_space<hbm>>
        %dma_wait3A_88 = arith.constant 9984 : i32
        %dma_wait3A_89 = arith.constant 0 : i32
        %dma_wait3A_90 = tpu.memref_slice %arg19[%dma_wait3A_88, %dma_wait3A_89] : memref<10000x128xf32, #tpu.memory_space<vmem_shared>> -> memref<16x128xf32, #tpu.memory_space<vmem_shared>>
        tpu.wait_dma2 semaphore(%run_scoped3A_76 : memref<!tpu.dma_semaphore, #tpu.memory_space<semaphore_mem>>) src(%dma_wait3A_90 : memref<16x128xf32, #tpu.memory_space<vmem_shared>>) dst(%dma_wait3A_87 : memref<16x128xf32, #tpu.memory_space<hbm>>)
        tpu.yield
      }) : () -> ()
    } else {
    }
    "tpu.region"() ({
      %run_scoped3A_76 = tpu.sem_alloc : memref<!tpu.dma_semaphore, #tpu.memory_space<semaphore_mem>>
      %dma_start3A_77 = arith.constant 0 : i32
      %dma_start3A_78 = tpu.memref_slice %arg9[%arg0, %mul3A_4, %dma_start3A_77] : memref<2x10240x16xf32, #tpu.memory_space<hbm>> -> memref<1x640x16xf32, #tpu.memory_space<hbm>>
      %dma_start3A_79 = tpu.memref_squeeze %dma_start3A_78 : memref<1x640x16xf32, #tpu.memory_space<hbm>> -> memref<640x16xf32, #tpu.memory_space<hbm>>
      %dma_start3A_80 = arith.constant 0 : i32
      %dma_start3A_81 = tpu.memref_slice %arg20[%mul3A_4, %dma_start3A_80] : memref<10240x16xf32, #tpu.memory_space<vmem_shared>> -> memref<640x16xf32, #tpu.memory_space<vmem_shared>>
      tpu.enqueue_dma source(%dma_start3A_81 : memref<640x16xf32, #tpu.memory_space<vmem_shared>>) target(%dma_start3A_79 : memref<640x16xf32, #tpu.memory_space<hbm>>) target_semaphore(%run_scoped3A_76 : memref<!tpu.dma_semaphore, #tpu.memory_space<semaphore_mem>>)
      %dma_wait3A_82 = arith.constant 0 : i32
      %dma_wait3A_83 = tpu.memref_slice %arg9[%arg0, %mul3A_4, %dma_wait3A_82] : memref<2x10240x16xf32, #tpu.memory_space<hbm>> -> memref<1x640x16xf32, #tpu.memory_space<hbm>>
      %dma_wait3A_84 = tpu.memref_squeeze %dma_wait3A_83 : memref<1x640x16xf32, #tpu.memory_space<hbm>> -> memref<640x16xf32, #tpu.memory_space<hbm>>
      %dma_wait3A_85 = arith.constant 0 : i32
      %dma_wait3A_86 = tpu.memref_slice %arg20[%mul3A_4, %dma_wait3A_85] : memref<10240x16xf32, #tpu.memory_space<vmem_shared>> -> memref<640x16xf32, #tpu.memory_space<vmem_shared>>
      tpu.wait_dma2 semaphore(%run_scoped3A_76 : memref<!tpu.dma_semaphore, #tpu.memory_space<semaphore_mem>>) src(%dma_wait3A_86 : memref<640x16xf32, #tpu.memory_space<vmem_shared>>) dst(%dma_wait3A_84 : memref<640x16xf32, #tpu.memory_space<hbm>>)
      tpu.yield
    }) : () -> ()
    return
  }
}

module attributes {stable_mosaic.version = 14 : i64} {
  func.func @_tc_body(%arg0: memref<10000x128xf32, #tpu.memory_space<vmem>>, %arg1: memref<2x10000x128xf32, #tpu.memory_space<vmem>>, %arg2: memref<2x10240x16xf32, #tpu.memory_space<vmem>>, %arg3: memref<10000x1xi32, #tpu.memory_space<vmem>>, %arg4: memref<128x128xf32, #tpu.memory_space<vmem>>, %arg5: memref<1x128xf32, #tpu.memory_space<vmem>>, %arg6: memref<128x128xf32, #tpu.memory_space<vmem>>, %arg7: memref<128x128xf32, #tpu.memory_space<vmem>>, %arg8: memref<1x128xf32, #tpu.memory_space<vmem>>, %arg9: memref<128x1xf32, #tpu.memory_space<vmem>>, %arg10: memref<1x1xf32, #tpu.memory_space<vmem>>, %arg11: memref<16x1xf32, #tpu.memory_space<vmem>>) attributes {dimension_semantics = [], scalar_prefetch = 0 : i64, scratch_operands = 0 : i64, tpu.core_type = #tpu.core_type<tc>} {
    %get3A = arith.constant 0 : index
    %get3A_0 = arith.constant 0 : index
    %get3A_1 = vector.load %arg0[%get3A, %get3A_0] : memref<10000x128xf32, #tpu.memory_space<vmem>>, vector<10000x128xf32>
    %get3A_2 = arith.constant 0 : index
    %get3A_3 = arith.constant 0 : index
    %get3A_4 = arith.constant 0 : index
    %get3A_5 = vector.load %arg1[%get3A_2, %get3A_3, %get3A_4] : memref<2x10000x128xf32, #tpu.memory_space<vmem>>, vector<1x10000x128xf32>
    %get3A_6 = vector.shape_cast %get3A_5 : vector<1x10000x128xf32> to vector<10000x128xf32>
    %get3A_7 = arith.constant 1 : index
    %get3A_8 = arith.constant 0 : index
    %get3A_9 = arith.constant 0 : index
    %get3A_10 = vector.load %arg1[%get3A_7, %get3A_8, %get3A_9] : memref<2x10000x128xf32, #tpu.memory_space<vmem>>, vector<1x10000x128xf32>
    %get3A_11 = vector.shape_cast %get3A_10 : vector<1x10000x128xf32> to vector<10000x128xf32>
    %add3A = arith.addf %get3A_6, %get3A_11 : vector<10000x128xf32>
    %get3A_12 = arith.constant 0 : index
    %get3A_13 = arith.constant 0 : index
    %get3A_14 = arith.constant 0 : index
    %get3A_15 = vector.load %arg2[%get3A_12, %get3A_13, %get3A_14] : memref<2x10240x16xf32, #tpu.memory_space<vmem>>, vector<1x10000x1xf32>
    %get3A_16 = vector.shape_cast %get3A_15 : vector<1x10000x1xf32> to vector<10000x1xf32>
    %get3A_17 = arith.constant 1 : index
    %get3A_18 = arith.constant 0 : index
    %get3A_19 = arith.constant 0 : index
    %get3A_20 = vector.load %arg2[%get3A_17, %get3A_18, %get3A_19] : memref<2x10240x16xf32, #tpu.memory_space<vmem>>, vector<1x10000x1xf32>
    %get3A_21 = vector.shape_cast %get3A_20 : vector<1x10000x1xf32> to vector<10000x1xf32>
    %add3A_22 = arith.addf %get3A_16, %get3A_21 : vector<10000x1xf32>
    %max3A = arith.constant 1.000000e+00 : f32
    %max3A_23 = vector.broadcast %max3A : f32 to vector<10000x1xf32>
    %max3A_24 = arith.maximumf %add3A_22, %max3A_23 : vector<10000x1xf32>
    %div3A = vector.broadcast %max3A_24 : vector<10000x1xf32> to vector<10000x128xf32>
    %div3A_25 = arith.divf %add3A, %div3A : vector<10000x128xf32>
    %get3A_26 = arith.constant 0 : index
    %get3A_27 = arith.constant 0 : index
    %get3A_28 = vector.load %arg4[%get3A_26, %get3A_27] : memref<128x128xf32, #tpu.memory_space<vmem>>, vector<128x128xf32>
    %dot_general3A = arith.constant dense<0.000000e+00> : vector<10000x128xf32>
    %dot_general3A_29 = tpu.matmul %div3A_25, %get3A_28, %dot_general3A {dimension_numbers = #tpu.dot_dimension_numbers<[1], [0], [0], [1], [0, 0, 1, 1], [], []>, transpose_lhs_hint = false} : vector<10000x128xf32>, vector<128x128xf32>, vector<10000x128xf32> -> vector<10000x128xf32>
    %get3A_30 = arith.constant 0 : index
    %get3A_31 = arith.constant 0 : index
    %get3A_32 = vector.load %arg5[%get3A_30, %get3A_31] : memref<1x128xf32, #tpu.memory_space<vmem>>, vector<1x128xf32>
    %add3A_33 = vector.broadcast %get3A_32 : vector<1x128xf32> to vector<10000x128xf32>
    %add3A_34 = arith.addf %dot_general3A_29, %add3A_33 : vector<10000x128xf32>
    %get3A_35 = arith.constant 0 : index
    %get3A_36 = arith.constant 0 : index
    %get3A_37 = vector.load %arg6[%get3A_35, %get3A_36] : memref<128x128xf32, #tpu.memory_space<vmem>>, vector<128x128xf32>
    %dot_general3A_38 = arith.constant dense<0.000000e+00> : vector<10000x128xf32>
    %dot_general3A_39 = tpu.matmul %get3A_1, %get3A_37, %dot_general3A_38 {dimension_numbers = #tpu.dot_dimension_numbers<[1], [0], [0], [1], [0, 0, 1, 1], [], []>, transpose_lhs_hint = false} : vector<10000x128xf32>, vector<128x128xf32>, vector<10000x128xf32> -> vector<10000x128xf32>
    %add3A_40 = arith.addf %add3A_34, %dot_general3A_39 : vector<10000x128xf32>
    %max3A_41 = arith.constant 0.000000e+00 : f32
    %max3A_42 = vector.broadcast %max3A_41 : f32 to vector<10000x128xf32>
    %max3A_43 = arith.maximumf %add3A_40, %max3A_42 : vector<10000x128xf32>
    %get3A_44 = arith.constant 0 : index
    %get3A_45 = arith.constant 0 : index
    %get3A_46 = vector.load %arg7[%get3A_44, %get3A_45] : memref<128x128xf32, #tpu.memory_space<vmem>>, vector<128x128xf32>
    %dot_general3A_47 = arith.constant dense<0.000000e+00> : vector<10000x128xf32>
    %dot_general3A_48 = tpu.matmul %get3A_1, %get3A_46, %dot_general3A_47 {dimension_numbers = #tpu.dot_dimension_numbers<[1], [0], [0], [1], [0, 0, 1, 1], [], []>, transpose_lhs_hint = false} : vector<10000x128xf32>, vector<128x128xf32>, vector<10000x128xf32> -> vector<10000x128xf32>
    %get3A_49 = arith.constant 0 : index
    %get3A_50 = arith.constant 0 : index
    %get3A_51 = vector.load %arg8[%get3A_49, %get3A_50] : memref<1x128xf32, #tpu.memory_space<vmem>>, vector<1x128xf32>
    %add3A_52 = vector.broadcast %get3A_51 : vector<1x128xf32> to vector<10000x128xf32>
    %add3A_53 = arith.addf %dot_general3A_48, %add3A_52 : vector<10000x128xf32>
    %max3A_54 = arith.constant 0.000000e+00 : f32
    %max3A_55 = vector.broadcast %max3A_54 : f32 to vector<10000x128xf32>
    %max3A_56 = arith.maximumf %add3A_53, %max3A_55 : vector<10000x128xf32>
    %add3A_57 = arith.addf %max3A_43, %max3A_56 : vector<10000x128xf32>
    %get3A_58 = arith.constant 0 : index
    %get3A_59 = arith.constant 0 : index
    %get3A_60 = vector.load %arg3[%get3A_58, %get3A_59] : memref<10000x1xi32, #tpu.memory_space<vmem>>, vector<10000x1xi32>
    %iota3A = tpu.iota {dimensions = array<i32: 1>} : vector<1x16xi32>
    %eq3A = vector.broadcast %get3A_60 : vector<10000x1xi32> to vector<10000x16xi32>
    %eq3A_61 = vector.broadcast %iota3A : vector<1x16xi32> to vector<10000x16xi32>
    %eq3A_62 = arith.cmpi eq, %eq3A, %eq3A_61 : vector<10000x16xi32>
    %convert_element_type3A = arith.extui %eq3A_62 : vector<10000x16xi1> to vector<10000x16xi32>
    %convert_element_type3A_63 = arith.sitofp %convert_element_type3A : vector<10000x16xi32> to vector<10000x16xf32>
    %dot_general3A_64 = arith.constant dense<0.000000e+00> : vector<16x128xf32>
    %dot_general3A_65 = tpu.matmul %convert_element_type3A_63, %add3A_57, %dot_general3A_64 {dimension_numbers = #tpu.dot_dimension_numbers<[0], [0], [1], [1], [0, 1, 1, 1], [], []>, transpose_lhs_hint = false} : vector<10000x16xf32>, vector<10000x128xf32>, vector<16x128xf32> -> vector<16x128xf32>
    %reduce_sum3A = arith.constant dense<0.000000e+00> : vector<16xf32>
    %reduce_sum3A_66 = vector.multi_reduction <add>, %convert_element_type3A_63, %reduce_sum3A [0] : vector<10000x16xf32> to vector<16xf32>
    %broadcast_in_dim3A = vector.shape_cast %reduce_sum3A_66 : vector<16xf32> to vector<16x1xf32>
    %max3A_67 = arith.constant 1.000000e+00 : f32
    %max3A_68 = vector.broadcast %max3A_67 : f32 to vector<16x1xf32>
    %max3A_69 = arith.maximumf %broadcast_in_dim3A, %max3A_68 : vector<16x1xf32>
    %div3A_70 = vector.broadcast %max3A_69 : vector<16x1xf32> to vector<16x128xf32>
    %div3A_71 = arith.divf %dot_general3A_65, %div3A_70 : vector<16x128xf32>
    %get3A_72 = arith.constant 0 : index
    %get3A_73 = arith.constant 0 : index
    %get3A_74 = vector.load %arg9[%get3A_72, %get3A_73] : memref<128x1xf32, #tpu.memory_space<vmem>>, vector<128x1xf32>
    %dot_general3A_75 = arith.constant dense<0.000000e+00> : vector<16x1xf32>
    %dot_general3A_76 = tpu.matmul %div3A_71, %get3A_74, %dot_general3A_75 {dimension_numbers = #tpu.dot_dimension_numbers<[1], [0], [0], [1], [0, 0, 1, 1], [], []>, transpose_lhs_hint = false} : vector<16x128xf32>, vector<128x1xf32>, vector<16x1xf32> -> vector<16x1xf32>
    %get3A_77 = arith.constant 0 : index
    %get3A_78 = arith.constant 0 : index
    %get3A_79 = vector.load %arg10[%get3A_77, %get3A_78] : memref<1x1xf32, #tpu.memory_space<vmem>>, vector<1x1xf32>
    %add3A_80 = vector.broadcast %get3A_79 : vector<1x1xf32> to vector<16x1xf32>
    %add3A_81 = arith.addf %dot_general3A_76, %add3A_80 : vector<16x1xf32>
    %logistic3A = arith.negf %add3A_81 : vector<16x1xf32>
    %logistic3A_82 = math.exp %logistic3A : vector<16x1xf32>
    %logistic3A_83 = arith.constant 1.000000e+00 : f32
    %logistic3A_84 = vector.broadcast %logistic3A_83 : f32 to vector<16x1xf32>
    %logistic3A_85 = arith.addf %logistic3A_84, %logistic3A_82 : vector<16x1xf32>
    %logistic3A_86 = arith.divf %logistic3A_84, %logistic3A_85 : vector<16x1xf32>
    %swap3A = arith.constant 0 : index
    %swap3A_87 = arith.constant 0 : index
    %swap3A_88 = vector.load %arg11[%swap3A, %swap3A_87] : memref<16x1xf32, #tpu.memory_space<vmem>>, vector<16x1xf32>
    tpu.vector_store %arg11[%swap3A, %swap3A_87], %logistic3A_86 {strides = array<i32>} : memref<16x1xf32, #tpu.memory_space<vmem>>, vector<16x1xf32>,
    return
  }
}

</mosaic_0001>

<sc_bundles>
// kernel: kernel.4.cloned.1.call-start
scs
__scs_entry_jumppad:
0x0: {  	(pc) =	sbr.rel $0x88, $3  }
0x1: {  	(tag) =	ssettag $0x0;
	lr =	simm.s32 $0x1  }
0x2: {  	[smem:$0x3F96] =	sst lr;
	_ =	strace $0xD0000000  }
0x3: {  	_ = 	snop  }
0x4: {  	_ = 	snop  }
0x5: {  	_ = 	snop  }
0x6: {  	_ = 	snop  }
0x7: {  	_ = 	snop  }
__scs_overlays_trampoline_lowered:
0x8: {  	[smem:$0x3FA5] =	sst s0  }
0x9: {  	[smem:$0x3FA6] =	sst s1  }
0xa: {  	[smem:$0x3FA7] =	sst s2  }
0xb: {  	[smem:$0x3FA8] =	sst s3  }
0xc: {  	[smem:$0x3FA9] =	sst s4  }
0xd: {  	[smem:$0x3FAA] =	sst s5  }
0xe: {  	[smem:$0x3FAB] =	sst s6  }
0xf: {  	[smem:$0x3FAC] =	sst s7  }
0x10: {  	[smem:$0x3FAD] =	sst s8  }
0x11: {  	[smem:$0x3FAE] =	sst s9;
	s0 =	simm.s32 @!p0 $0x0  }
0x12: {  	s1 =	sld [smem:$0x3F94];
	s0 =	simm.s32 @p0 $0x1  }
0x13: {  	[smem:$0x3FAF] =	sst s0;
	s0 =	simm.s32 @!p1 $0x0  }
0x14: {  	s2 =	sld [smem:$0x3F93];
	s0 =	simm.s32 @p1 $0x1  }
0x15: {  	[smem:$0x3FB0] =	sst s0;
	s0 =	simm.s32 @!p2 $0x0  }
0x16: {  	s3 =	sld [smem:$0x3FDB];
	s0 =	simm.s32 @p2 $0x1  }
0x17: {  	s4 =	simm.s32 $0x1BF5;
	[smem:$0x3FB2] =	sst s0  }
0x18: {  	s0 =	sld [smem:$0x3F95];
	_ =	swait.ge [sflag:s4], $0x0  }
0x19: {  	s7 =	sld [smem:$0x3F96]  }
0x1a: {  	s8 =	sadd.s32 $0xFFFFE003, lr  }
0x1b: {  	s9 =	sadd.s32 $0xFFFFFEF7, lr;
	s5 =	simm.s32 $0xFFFFFFFF;
	p2 =	slt.u32 s8, $0xFFFFF086  }
0x1c: {  	p1 =	slt.u32 s9, $0xF7A;
	s5 =	simm.s32 @!p2 $0x0  }
0x1d: {  	s5 =	simm.s32 @p1 $0x1;
	p0 =	seq.s32 s7, s2  }
0x1e: {  	s7 =	smul.u32 @!p0 $0xF7A, s2;
	p2 =	seq.s32 @!p0 s5, $0x0  }
0x1f: {  	s9 =	smul.u32 $0xF7A, s1;
	s8 =	simm.s32 @!p0 $0x1BF5;
	p2 =	por !p2, p0  }
0x20: {  	[sflag:s8] =	ssyncset.s32 @!p0 $0xFFFFF086;
	s6 =	sadd.s32 @!p0 s3, s7;
	s7 =	simm.s32 @!p0 $0x108  }
0x21: {  	s3 =	sadd.s32 s3, s9;
	s6 =	sadd.s32 @!p0 $0x88, s6;
	s7 =	simm.s32 @p2 $0x1082  }
0x22: {  	[simem:s7], [sflag:s8] =	dma.local @!p0 [hbm:s6], $0xF7A  }
0x23: {  	s9 =	sor.u32 $0xD0000000, s2;
	s6 =	simm.s32 $0x108;
	_ =	swait.ge @!p0 [sflag:s8], $0x0  }
0x24: {  	s3 =	sadd.s32 $0x88, s3;
	s6 =	simm.s32 @!p1 $0x1082;
	[sflag:s4] =	ssyncset.s32 $0xFFFFF086  }
0x25: {  	[simem:s6], [sflag:s4] =	dma.local [hbm:s3], $0xF7A  }
0x26: {  	[smem:$0x3F96] =	sst s1;
	(tag) =	ssettag s2;
	_ =	strace s9  }
0x27: {  	s1 =	sld [smem:$0x3FA6]  }
0x28: {  	s2 =	sld [smem:$0x3FA7]  }
0x29: {  	s4 =	sld [smem:$0x3FA9]  }
0x2a: {  	p0 =	seq.s32 s5, $0x0;
	s5 =	sld [smem:$0x3FAA]  }
0x2b: {  	s6 =	sld [smem:$0x3FAB]  }
0x2c: {  	s7 =	sld [smem:$0x3FAC]  }
0x2d: {  	s3 =	simm.s32 $0x108;
	s8 =	sld [smem:$0x3FAD]  }
0x2e: {  	s3 =	simm.s32 @!p0 $0x1082;
	s9 =	sld [smem:$0x3FAE]  }
0x2f: {  	lr =	sadd.s32 s0, s3;
	s0 =	sld [smem:$0x3FA5]  }
0x30: {  	s3 =	sld [smem:$0x3FA8]  }
0x31: {  	[smem:$0x3FB1] =	sst s10  }
0x32: {  	s10 =	sld [smem:$0x3FAF];
	_ =	sdelay $0x3  }
0x33: {  	p0 =	seq.s32 s10, $0x1;
	s10 =	sld [smem:$0x3FB1];
	_ =	sdelay $0x3  }
0x34: {  	[smem:$0x3FB1] =	sst s10  }
0x35: {  	s10 =	sld [smem:$0x3FB0];
	_ =	sdelay $0x3  }
0x36: {  	p1 =	seq.s32 s10, $0x1;
	s10 =	sld [smem:$0x3FB1];
	_ =	sdelay $0x3  }
0x37: {  	[smem:$0x3FB1] =	sst s10  }
0x38: {  	s10 =	sld [smem:$0x3FB2]  }
0x39: {  	_ = 	snop;
	(pc) =	sbr.ind lr, $3  }
0x3a: {  	_ = 	snop  }
0x3b: {  	_ = 	snop  }
0x3c: {  	p2 =	seq.s32 s10, $0x1;
	s10 =	sld [smem:$0x3FB1]  }
0x3d: {  	_ =	shalt  }
0x3e: {  	_ =	shalt  }
0x3f: {  	_ =	shalt  }
0x40: {  	_ =	shalt  }
0x41: {  	_ =	shalt  }
0x42: {  	_ =	shalt  }
0x43: {  	_ =	shalt  }
0x44: {  	_ =	shalt  }
0x45: {  	_ =	shalt  }
0x46: {  	_ =	shalt  }
0x47: {  	_ =	shalt  }
0x48: {  	_ =	shalt  }
0x49: {  	_ =	shalt  }
0x4a: {  	_ =	shalt  }
0x4b: {  	_ =	shalt  }
0x4c: {  	_ =	shalt  }
0x4d: {  	_ =	shalt  }
0x4e: {  	_ =	shalt  }
0x4f: {  	_ =	shalt  }
0x50: {  	_ =	shalt  }
0x51: {  	_ =	shalt  }
0x52: {  	_ =	shalt  }
0x53: {  	_ =	shalt  }
0x54: {  	_ =	shalt  }
0x55: {  	_ =	shalt  }
0x56: {  	_ =	shalt  }
0x57: {  	_ =	shalt  }
0x58: {  	_ =	shalt  }
0x59: {  	_ =	shalt  }
0x5a: {  	_ =	shalt  }
0x5b: {  	_ =	shalt  }
0x5c: {  	_ =	shalt  }
0x5d: {  	_ =	shalt  }
0x5e: {  	_ =	shalt  }
0x5f: {  	_ =	shalt  }
0x60: {  	_ =	shalt  }
0x61: {  	_ =	shalt  }
0x62: {  	_ =	shalt  }
0x63: {  	_ =	shalt  }
0x64: {  	_ =	shalt  }
0x65: {  	_ =	shalt  }
0x66: {  	_ =	shalt  }
0x67: {  	_ =	shalt  }
0x68: {  	_ =	shalt  }
0x69: {  	_ =	shalt  }
0x6a: {  	_ =	shalt  }
0x6b: {  	_ =	shalt  }
0x6c: {  	_ =	shalt  }
0x6d: {  	_ =	shalt  }
0x6e: {  	_ =	shalt  }
0x6f: {  	_ =	shalt  }
0x70: {  	_ =	shalt  }
0x71: {  	_ =	shalt  }
0x72: {  	_ =	shalt  }
0x73: {  	_ =	shalt  }
0x74: {  	_ =	shalt  }
0x75: {  	_ =	shalt  }
0x76: {  	_ =	shalt  }
0x77: {  	_ =	shalt  }
0x78: {  	_ =	shalt  }
0x79: {  	_ =	shalt  }
0x7a: {  	_ =	shalt  }
0x7b: {  	_ =	shalt  }
0x7c: {  	_ =	shalt  }
0x7d: {  	_ =	shalt  }
0x7e: {  	_ =	shalt  }
0x7f: {  	_ =	shalt  }
0x80: {  	_ =	shalt  }
0x81: {  	_ =	shalt  }
0x82: {  	_ =	shalt  }
0x83: {  	_ =	shalt  }
0x84: {  	_ =	shalt  }
0x85: {  	_ =	shalt  }
0x86: {  	_ =	shalt  }
0x87: {  	_ =	shalt  }
.Lfunc_end0:
.L_simem_size_0:
called_computation_lowered:
.L_overlay_start_0:
0x88: {  	s2 =	sld [smem:$0x3FD9]  }
0x89: {  	s3 =	sld [smem:$0x3FFE];
	_ =	sdelay $0x1  }
0x8a: {  	s1 =	srdreg.scid  }
0x8b: {  	s0 =	sand.u32 $0x1, s1  }
0x8c: {  	s16 =	sshll.u32 s0, $0xA;
	s2 =	sadd.s32 s3, s2  }
0x8d: {  	s2 =	sadd.s32 s2, s16  }
0x8e: {  	[smem:$0x3FBD] =	sst s2  }
0x8f: {  	_ = 	snop  }
0x90: {  	(tm) =	ssettm $0x1  }
0x91: {  	s17 =	sld [smem:$0x3FFB];
	_ =	sdelay $0x3  }
0x92: {  	_ =	strace s17  }
0x93: {  	s2 =	sld [smem:$0x3FFC];
	_ =	sdelay $0x3  }
0x94: {  	_ =	strace s2  }
0x95: {  	s2 =	sld [smem:$0x3FFD];
	_ =	sdelay $0x3  }
0x96: {  	_ =	strace s2  }
0x97: {  	_ =	strace $0x8FFFFFFF  }
0x98: {  	s18 =	sld [smem:$0x3FDB];
	_ =	sdelay $0x1  }
0x99: {  	s19 =	simm.s32 $_scs_section_size  }
0x9a: {  	s4 =	simm.s32 $_size__tile_overlayer_lowered;
	s5 =	simm.s32 $_tile_overlayer_lowered  }
0x9b: {  	s22 =	simm.s32 $0x1BFF;
	s21 =	sshll.u32 s5, $0x1;
	s2 =	sadd.s32 s19, s18  }
0x9c: {  	s6 =	simm.s32 $0x0;
	s20 =	sshll.u32 s4, $0x1;
	s4 =	sadd.s32 s21, s2  }
0x9d: {  	[timem:s6], [sflag:s22] =	dma.local [hbm:s4], s20  }
0x9e: {  	_ =	swait.ge [sflag:s22], s20  }
0x9f: {  	s3 =	ssub.s32 $0x0, s20;
	[sflag:s22] =	ssyncset.done $0x0  }
0xa0: {  	[sflag:s22] =	ssyncadd.s32 s3;
	_ =	sdelay $0x1  }
0xa1: {  	s23 =	simm.s32 $0x1B8B  }
0xa2: {  	_ =	swait.ge [sflag:s23], $0x1  }
0xa3: {  	[sflag:s23] =	ssyncset.done $0x0  }
0xa4: {  	s25 =	simm.s32 $0x1B8E;
	s24 =	sld [smem:$0x3FFE];
	[sflag:s23] =	ssyncadd.s32 $0xFFFFFFFF  }
0xa5: {  	s26 =	simm.s32 $execute0_lowered;
	[smem:$0x3FD2] =	sst s25  }
0xa6: {  	s4 =	sshll.u32 s26, $0x1;
	_ =	strace $0x80000046;
	[dreg:$0x1] =	wrdreg $0xFFFFFFFF  }
0xa7: {  	s28 =	simm.s32 $_size_execute0_lowered;
	s2 =	sadd.s32 s2, s4;
	[dreg:$0x0] =	wrdreg $0x0  }
0xa8: {  	s4 =	sshll.u32 s28, $0x1;
	[dreg:$0x2] =	wrdreg s2  }
0xa9: {  	[dreg:$0x3] =	wrdreg s4  }
0xaa: {  	[dreg:$0x4] =	wrdreg $0xC0  }
0xab: {  	_ =	task [dreg:s6], $0x5FFFF  }
0xac: {  	[dreg:$0x1] =	wrdreg $0xFFFFFFFF  }
0xad: {  	[dreg:$0x0] =	wrdreg $0x60  }
0xae: {  	[dreg:$0x2] =	wrdreg s24  }
0xaf: {  	[dreg:$0x3] =	wrdreg $0x9C400  }
0xb0: {  	[dreg:$0x4] =	wrdreg $0x1D4C00  }
0xb1: {  	[dreg:$0x5] =	wrdreg $0x9  }
0xb2: {  	_ =	task.clear_ibuf [dreg:s6], $0x6FFFF;
	_ =	strace $0x90000046  }
0xb3: {  	s29 =	simm.s32 $0x9;
	_ =	strace $0x80000048  }
0xb4: {  	_ =	swait.ge [sflag:s29], $0x1  }
0xb5: {  	[sflag:s29] =	ssyncadd.s32 $0xFFFFFFFF  }
0xb6: {  	_ =	strace $0x90000048  }
0xb7: {  	_ =	sfence  }
0xb8: {  	s30 =	sld [smem:$0x0];
	_ =	sdelay $0x2  }
0xb9: {  	s31 =	sshll.u32 s1, $0xD;
	s1 =	sshrl.u32 s1, $0x2  }
0xba: {  	s3 =	sand.u32 $0x4000, s31;
	s1 =	sadd.s32 s1, s30  }
0xbb: {  	s0 =	sor.u32 s3, s0;
	s1 =	sshll.u32 s1, $0x11  }
0xbc: {  	s0 =	sor.u32 s1, s0  }
0xbd: {  	s0 =	sadd.s32 $0x8F2B, s0  }
0xbe: {  	[sflag:s0] =	ssyncadd.remote.s32 $0x1  }
0xbf: {  	_ =	sfence.sel $0xFFFF  }
0xc0: {  	[dreg:$0x0] =	wrdreg $0xFFFFFFFF;
	(pc) =	sbr.abs _section_cstart, $3  }
0xc1: {  	[dreg:$0x1] =	wrdreg $0xFFFFFFFF  }
0xc2: {  	_ =	task.clear_ibuf [dreg:s6], $0x2FFFF;
	_ =	strace $0x9FFFFFFF  }
0xc3: {  	(tm) =	ssettm $0x7FFFFFFF  }
tec
execute0_lowered:
.L_overlay_start_1:
0x0: {  	(tag) =	ssettag $0x1  }
0x1: {  	s0 =	rddreg [dreg:$0x0]  }
0x2: {  	s1 =	rddreg [dreg:$0x1]  }
0x3: {  	s2 =	rddreg [dreg:$0x2];
	s4 =	simm.s32 $0x0;
	s3 =	srdreg.scid  }
0x4: {  	s17 =	stileid.u32;
	s28 =	simm.s32 $0x1;
	s29 =	simm.s32 $0x80  }
0x5: {  	s30 =	simm.s32 $0x400;
	s31 =	simm.s32 $0x5;
	[smem:$0x7FF] =	sst s4  }
0x6: {  	s3 =	sand.u32 $0x1, s3;
	s7 =	smul.u32 $0x13800, s17;
	s5 =	sadd.s32 $0x29400, s0  }
0x7: {  	s9 =	smul.u32 $0x2800, s17;
	s14 =	sadd.s32 $0x7C800, s0;
	s15 =	sadd.s32 $0x86A00, s0  }
0x8: {  	s23 =	sshll.u32 s17, $0x6;
	s24 =	sadd.s32 $0x138000, s1;
	p0 =	sne.s32 s17, $0xF  }
0x9: {  	_ =	strace $0x80000047;
	s6 =	sshll.u32 s3, $0x4;
	s11 =	smul.u32 $0x28000, s3  }
0xa: {  	[dreg:$0x7] =	wrdreg s14;
	s21 =	ssub.s32 $0x2, s3;
	s25 =	smul.u32 $0x138800, s3  }
0xb: {  	s20 =	sor.u32 $0x1C0B, s23;
	[dreg:$0xb] =	wrdreg s24;
	s3 =	smul.u32 $0x9C000, s3  }
0xc: {  	s8 =	sor.u32 s17, s6;
	s6 =	sadd.s32 $0x2400, s0;
	s12 =	sshrl.u32 s7, $0x3  }
0xd: {  	s13 =	sshrl.u32 s9, $0x3;
	s16 =	sshrl.u32 s21, $0x1;
	s22 =	sadd.s32 s7, s1  }
0xe: {  	[dreg:$0xa] =	wrdreg s20;
	s10 =	sshll.u32 s8, $0x3;
	s12 =	sadd.s32 s12, s0  }
0xf: {  	s13 =	sadd.s32 s13, s0;
	s11 =	sadd.s32 s9, s11;
	s14 =	ssub.s32 s21, s16  }
0x10: {  	[dreg:$0x8] =	wrdreg s22;
	s8 =	smul.u32 $0x9C00, s8;
	s9 =	sadd.s32 s9, s2  }
0x11: {  	s7 =	sadd.s32 s7, s25;
	s10 =	sadd.s32 s10, s0;
	s11 =	sshrl.u32 s11, $0x3  }
0x12: {  	s12 =	sadd.s32 $0x50600, s12;
	[dreg:$0xd] =	wrdreg s9;
	s26 =	sadd.s32 $0x77800, s13  }
0x13: {  	s13 =	smul.u32 $0x9C00, s17;
	s7 =	sshrl.u32 s7, $0x3;
	s17 =	simm.s32 $0xA  }
0x14: {  	s11 =	sadd.s32 s11, s0;
	[dreg:$0x9] =	wrdreg s12;
	s0 =	sadd.s32 $0x77600, s0  }
0x15: {  	s8 =	sshrl.u32 s8, $0x3;
	[dreg:$0xe] =	wrdreg s26;
	s16 =	sadd.s32 $0x2200, s10  }
0x16: {  	s7 =	sadd.s32 s15, s7;
	s26 =	smax.u32 s14, $0x1;
	[dreg:$0xc] =	wrdreg s0  }
0x17: {  	s14 =	simm.s32 $0x280;
	s12 =	sadd.s32 s6, s8;
	[dreg:$0x11] =	wrdreg s16  }
0x18: {  	s0 =	sshrl.u32 s25, $0x3;
	s3 =	sadd.s32 s13, s3;
	[dreg:$0x12] =	wrdreg s7  }
0x19: {  	s24 =	sadd.s32 $0x7CA00, s11;
	[dreg:$0x15] =	wrdreg s26;
	s26 =	simm.s32 $0x200  }
0x1a: {  	s11 =	simm.s32 $0x7;
	s13 =	simm.s32 $0x3;
	s16 =	simm.s32 $0x8  }
0x1b: {  	[dreg:$0xf] =	wrdreg s12;
	s9 =	sadd.s32 $0x20, s12;
	s0 =	sadd.s32 s15, s0  }
0x1c: {  	s18 =	sadd.s32 $0x500, s3;
	s21 =	sor.u32 $0x300, s3;
	s8 =	sor.u32 $0x200, s3  }
0x1d: {  	[dreg:$0x14] =	wrdreg s24;
	s3 =	sadd.s32 $0x400, s3;
	s15 =	simm.s32 $0xB  }
0x1e: {  	s24 =	simm.s32 $0x9440;
	s12 =	simm.s32 $0x9;
	[dreg:$0x10] =	wrdreg s9  }
0x1f: {  	s0 =	sadd.s32 $0x27000, s0;
	s19 =	sshrl.u32 s18, $0x3;
	s7 =	sshrl.u32 s21, $0x3  }
0x20: {  	s23 =	sshrl.u32 s8, $0x3;
	[dreg:$0x16] =	wrdreg s3;
	s3 =	simm.s32 $0x2  }
0x21: {  	s8 =	simm.s32 $0x6;
	s9 =	simm.s32 $0x180;
	s18 =	simm.s32 $0x4  }
0x22: {  	s21 =	simm.s32 $0x0;
	[dreg:$0x13] =	wrdreg s0;
	s0 =	sadd.s32 s19, s6  }
0x23: {  	s22 =	sadd.s32 s7, s6;
	s25 =	sadd.s32 s23, s6;
	[dreg:$0x4] =	wrdreg s0  }
0x24: {  	s7 =	simm.s32 $0x4400;
	s19 =	simm.s32 $0x380;
	[dreg:$0x5] =	wrdreg s22  }
0x25: {  	[dreg:$0x6] =	wrdreg s25;
	s25 =	simm.s32 $0x100;
	s0 =	simm.s32 $0x300  }
.LBB2_1:
0x26: {  	[dreg:$0x17] =	wrdreg s21  }
0x27: {  	s10 =	rddreg [dreg:$0x8]  }
0x28: {  	s23 =	rddreg [dreg:$0x9];
	s22 =	sshrl.u32 s10, $0x3  }
0x29: {  	[dreg:$0x18] =	wrdreg s22  }
0x2a: {  	[spmem:s22], [sflag:s20] =	dma.local [hbm:s23], $0x2700  }
0x2b: {  	_ =	swait.ge [sflag:s15], $0x2700  }
0x2c: {  	s10 =	rddreg [dreg:$0xb]  }
0x2d: {  	[sflag:s15] =	ssyncset.done $0x0;
	s21 =	sshrl.u32 @!p0 s10, $0x3;
	s10 =	rddreg [dreg:$0xc]  }
0x2e: {  	[sflag:s15] =	ssyncadd.s32 $0xFFFFD900;
	[dreg:$0x19] =	wrdreg s21  }
0x2f: {  	[spmem:s21], [sflag:s20] =	dma.local @!p0 [hbm:s10], $0x100  }
0x30: {  	s10 =	simm.s32 @!p0 $0xB  }
0x31: {  	_ =	swait.ge @!p0 [sflag:s10], $0x100  }
0x32: {  	s21 =	rddreg [dreg:$0xd]  }
0x33: {  	[sflag:s10] =	ssyncset.done @!p0 $0x0;
	s23 =	rddreg [dreg:$0xe];
	s22 =	sshrl.u32 s21, $0x3  }
0x34: {  	[sflag:s10] =	ssyncadd.s32 @!p0 $0xFFFFFF00;
	[dreg:$0x1a] =	wrdreg s22  }
0x35: {  	[spmem:s22], [sflag:s20] =	dma.local [hbm:s23], $0x500  }
0x36: {  	_ =	swait.ge [sflag:s15], $0x500  }
0x37: {  	[sflag:s15] =	ssyncset.done $0x0  }
0x38: {  	s22 =	rddreg [dreg:$0x7];
	[sflag:s15] =	ssyncadd.s32 $0xFFFFFB00  }
0x39: {  	[tilespmem:s24], [sflag:$0xB] =	stream.linear.gather [hbm4b:s22+s4], $0x800, $0x38;
	[tilespmem:$0x1FCC0] =	vst v63  }
0x3a: {  	_ =	swait.ge [sflag:s15], $0x800  }
0x3b: {  	[sflag:s15] =	ssyncset.done $0x0  }
0x3c: {  	[sflag:s15] =	ssyncadd.s32 $0xFFFFF800  }
0x3d: {  	p1 =	por $0x1, $0x1;
	[bflag:$0x0] =	sbarrier.arrive $0xFFFF  }
0x3e: {  	p1 =	por p1, p1;
	s23 =	rddreg [dreg:$0xf]  }
0x3f: {  	[tilespmem:s4], [sflag:$0x1] =	stream.linear.gather [hbm4b:s23+s4], $0x100, $0x38;
	[tilespmem:$0x1FCC0] =	vst v63  }
0x40: {  	s10 =	simm.s32 @!p1 $0x7;
	s15 =	rddreg [dreg:$0x10]  }
0x41: {  	[tilespmem:s25], [sflag:$0x2] =	stream.linear.gather [hbm4b:s15+s4], $0x100, $0x38;
	[tilespmem:$0x1FCC0] =	vst v63  }
0x42: {  	_ =	swait.ge @!p1 [sflag:s10], $0x4000  }
0x43: {  	[sflag:s10] =	ssyncset.done @!p1 $0x0  }
0x44: {  	[sflag:s10] =	ssyncadd.s32 @!p1 $0xFFFFC000;
	s10 =	simm.s32 @!p1 $0x9  }
0x45: {  	_ =	swait.ge @!p1 [sflag:s10], $0x800  }
0x46: {  	s20 =	rddreg [dreg:$0x6];
	[sflag:s10] =	ssyncset.done @!p1 $0x0  }
0x47: {  	[sflag:s10] =	ssyncadd.s32 @!p1 $0xFFFFF800;
	s21 =	sadd.s32 $0x0, s20  }
0x48: {  	[tilespmem:s26], [sflag:$0x3] =	stream.linear.gather [hbm4b:s21+s4], $0x100, $0x38;
	[tilespmem:$0x1FCC0] =	vst v63  }
0x49: {  	_ =	swait.ge [sflag:s28], $0x100  }
0x4a: {  	[sflag:s28] =	ssyncset.done $0x0  }
0x4b: {  	[sflag:s28] =	ssyncadd.s32 $0xFFFFFF00  }
0x4c: {  	[tilespmem:s30], [sflag:$0x5] =	stream.indirect.gather [hbm4b:s5+s29], $0x80, s4, s29, $0xb8;
	[tilespmem:$0x1FCC0] =	vst v63  }
0x4d: {  	_ =	swait.ge [sflag:s31], $0x4000  }
0x4e: {  	[sflag:s31] =	ssyncset.done $0x0  }
0x4f: {  	[sflag:s31] =	ssyncadd.s32 $0xFFFFC000  }
0x50: {  	[spmem:s1] =	stream.indirect.scatter.add.f32 [tilespmem:s30], [sflag:$0x7], $0x80, s29, s29, $0xb8;
	[tilespmem:$0x1FCC0] =	vst v63  }
0x51: {  	s10 =	simm.s32 @!p1 $0x8  }
0x52: {  	[spmem:s2] =	stream.indirect.scatter.add.f32 [tilespmem:s24], [sflag:$0x9], $0x10, s29, s29, $0xb8;
	[tilespmem:$0x1FCC0] =	vst v63  }
0x53: {  	_ =	swait.ge @!p1 [sflag:s10], $0x4000  }
0x54: {  	[sflag:s10] =	ssyncset.done @!p1 $0x0  }
0x55: {  	[sflag:s10] =	ssyncadd.s32 @!p1 $0xFFFFC000;
	s10 =	simm.s32 @!p1 $0xA  }
0x56: {  	_ =	swait.ge @!p1 [sflag:s10], $0x800  }
0x57: {  	s22 =	rddreg [dreg:$0x5];
	[sflag:s10] =	ssyncset.done @!p1 $0x0  }
0x58: {  	[sflag:s10] =	ssyncadd.s32 @!p1 $0xFFFFF800;
	s23 =	sadd.s32 $0x0, s22  }
0x59: {  	[tilespmem:s0], [sflag:$0x4] =	stream.linear.gather [hbm4b:s23+s4], $0x100, $0x38;
	[tilespmem:$0x1FCC0] =	vst v63  }
0x5a: {  	_ =	swait.ge [sflag:s3], $0x100  }
0x5b: {  	[sflag:s3] =	ssyncset.done $0x0  }
0x5c: {  	[sflag:s3] =	ssyncadd.s32 $0xFFFFFF00  }
0x5d: {  	[tilespmem:s7], [sflag:$0x6] =	stream.indirect.gather [hbm4b:s5+s29], $0x80, s25, s29, $0xb8;
	[tilespmem:$0x1FCC0] =	vst v63  }
0x5e: {  	_ =	swait.ge [sflag:s8], $0x4000  }
0x5f: {  	[sflag:s8] =	ssyncset.done $0x0  }
0x60: {  	[sflag:s8] =	ssyncadd.s32 $0xFFFFC000  }
0x61: {  	[spmem:s1] =	stream.indirect.scatter.add.f32 [tilespmem:s7], [sflag:$0x8], $0x80, s9, s29, $0xb8;
	[tilespmem:$0x1FCC0] =	vst v63  }
0x62: {  	_ = 	snop  }
0x63: {  	[spmem:s2] =	stream.indirect.scatter.add.f32 [tilespmem:s24], [sflag:$0xA], $0x10, s9, s29, $0xb8;
	[tilespmem:$0x1FCC0] =	vst v63  }
0x64: {  	_ =	swait.ge [sflag:s11], $0x4000  }
0x65: {  	[sflag:s11] =	ssyncset.done $0x0  }
0x66: {  	[sflag:s11] =	ssyncadd.s32 $0xFFFFC000  }
0x67: {  	_ =	swait.ge [sflag:s12], $0x800  }
0x68: {  	p1 =	por $0x0, $0x0;
	s21 =	rddreg [dreg:$0x16]  }
0x69: {  	[sflag:s12] =	ssyncset.done $0x0;
	s10 =	sshrl.u32 @!p1 s21, $0x3  }
0x6a: {  	s15 =	simm.s32 @!p1 $0x0;
	[sflag:s12] =	ssyncadd.s32 $0xFFFFF800;
	s10 =	sadd.s32 @!p1 s6, s10  }
0x6b: {  	[tilespmem:s15], [sflag:$0x1] =	stream.linear.gather @!p1 [hbm4b:s10+s15], $0x100, $0x38;
	[tilespmem:$0x1FCC0] =	vst v63  }
0x6c: {  	_ =	swait.ge [sflag:s13], $0x100  }
0x6d: {  	[sflag:s13] =	ssyncset.done $0x0  }
0x6e: {  	[sflag:s13] =	ssyncadd.s32 $0xFFFFFF00  }
0x6f: {  	[tilespmem:s30], [sflag:$0x5] =	stream.indirect.gather [hbm4b:s5+s29], $0x80, s26, s29, $0xb8;
	[tilespmem:$0x1FCC0] =	vst v63  }
0x70: {  	_ =	swait.ge [sflag:s31], $0x4000  }
0x71: {  	[sflag:s31] =	ssyncset.done $0x0  }
0x72: {  	[sflag:s31] =	ssyncadd.s32 $0xFFFFC000  }
0x73: {  	[spmem:s1] =	stream.indirect.scatter.add.f32 [tilespmem:s30], [sflag:$0x7], $0x80, s14, s29, $0xb8;
	[tilespmem:$0x1FCC0] =	vst v63  }
0x74: {  	_ = 	snop  }
0x75: {  	[spmem:s2] =	stream.indirect.scatter.add.f32 [tilespmem:s24], [sflag:$0x9], $0x10, s14, s29, $0xb8;
	[tilespmem:$0x1FCC0] =	vst v63  }
0x76: {  	_ =	swait.ge [sflag:s16], $0x4000  }
0x77: {  	[sflag:s16] =	ssyncset.done $0x0  }
0x78: {  	[sflag:s16] =	ssyncadd.s32 $0xFFFFC000  }
0x79: {  	_ =	swait.ge [sflag:s17], $0x800  }
0x7a: {  	s10 =	rddreg [dreg:$0x4];
	[sflag:s17] =	ssyncset.done $0x0  }
0x7b: {  	s20 =	simm.s32 @!p1 $0x100;
	[sflag:s17] =	ssyncadd.s32 $0xFFFFF800;
	s10 =	sadd.s32 @!p1 $0x0, s10  }
0x7c: {  	[tilespmem:s20], [sflag:$0x2] =	stream.linear.gather @!p1 [hbm4b:s10+s15], $0x100, $0x38;
	[tilespmem:$0x1FCC0] =	vst v63  }
0x7d: {  	_ =	swait.ge [sflag:s18], $0x100  }
0x7e: {  	[sflag:s18] =	ssyncset.done $0x0  }
0x7f: {  	[sflag:s18] =	ssyncadd.s32 $0xFFFFFF00  }
0x80: {  	[tilespmem:s7], [sflag:$0x6] =	stream.indirect.gather [hbm4b:s5+s29], $0x80, s0, s29, $0xb8;
	[tilespmem:$0x1FCC0] =	vst v63  }
0x81: {  	p6 =	por $0x0, $0x0;
	_ =	swait.ge [sflag:s8], $0x4000  }
0x82: {  	s22 =	simm.s32 $0x100;
	s15 =	simm.s32 $0x80;
	[sflag:s8] =	ssyncset.done $0x0  }
0x83: {  	p1 =	por p6, p6;
	s20 =	sadd.s32 $0x400, s21;
	[sflag:s8] =	ssyncadd.s32 $0xFFFFC000  }
0x84: {  	[spmem:s1] =	stream.indirect.scatter.add.f32 [tilespmem:s7], [sflag:$0x8], $0x80, s19, s29, $0xb8;
	[tilespmem:$0x1FCC0] =	vst v63  }
.LBB2_2:
0x85: {  	[spmem:s2] =	stream.indirect.scatter.add.f32 [tilespmem:s24], [sflag:$0xA], $0x10, s19, s29, $0xb8;
	[tilespmem:$0x1FCC0] =	vst v63  }
0x86: {  	s21 =	simm.s32 @!p1 $0x7  }
0x87: {  	_ =	swait.ge @!p1 [sflag:s21], $0x4000  }
0x88: {  	[sflag:s21] =	ssyncset.done @!p1 $0x0  }
0x89: {  	[sflag:s21] =	ssyncadd.s32 @!p1 $0xFFFFC000;
	s21 =	simm.s32 @!p1 $0x9  }
0x8a: {  	_ =	swait.ge @!p1 [sflag:s21], $0x800  }
0x8b: {  	s23 =	rddreg [dreg:$0x6];
	[sflag:s21] =	ssyncset.done @!p1 $0x0  }
0x8c: {  	[sflag:s21] =	ssyncadd.s32 @!p1 $0xFFFFF800;
	s23 =	sadd.s32 s15, s23  }
0x8d: {  	[tilespmem:s26], [sflag:$0x3] =	stream.linear.gather [hbm4b:s23+s4], $0x100, $0x38;
	[tilespmem:$0x1FCC0] =	vst v63  }
0x8e: {  	_ =	swait.ge [sflag:s28], $0x100  }
0x8f: {  	[sflag:s28] =	ssyncset.done $0x0  }
0x90: {  	[sflag:s28] =	ssyncadd.s32 $0xFFFFFF00  }
0x91: {  	[tilespmem:s30], [sflag:$0x5] =	stream.indirect.gather [hbm4b:s5+s29], $0x80, s4, s29, $0xb8;
	[tilespmem:$0x1FCC0] =	vst v63  }
0x92: {  	_ =	swait.ge [sflag:s31], $0x4000  }
0x93: {  	[sflag:s31] =	ssyncset.done $0x0  }
0x94: {  	[sflag:s31] =	ssyncadd.s32 $0xFFFFC000  }
0x95: {  	[spmem:s1] =	stream.indirect.scatter.add.f32 [tilespmem:s30], [sflag:$0x7], $0x80, s29, s29, $0xb8;
	[tilespmem:$0x1FCC0] =	vst v63  }
0x96: {  	s21 =	simm.s32 @!p1 $0x8  }
0x97: {  	[spmem:s2] =	stream.indirect.scatter.add.f32 [tilespmem:s24], [sflag:$0x9], $0x10, s29, s29, $0xb8;
	[tilespmem:$0x1FCC0] =	vst v63  }
0x98: {  	_ =	swait.ge @!p1 [sflag:s21], $0x4000  }
0x99: {  	[sflag:s21] =	ssyncset.done @!p1 $0x0  }
0x9a: {  	[sflag:s21] =	ssyncadd.s32 @!p1 $0xFFFFC000;
	s21 =	simm.s32 @!p1 $0xA  }
0x9b: {  	_ =	swait.ge @!p1 [sflag:s21], $0x800  }
0x9c: {  	s23 =	rddreg [dreg:$0x5];
	[sflag:s21] =	ssyncset.done @!p1 $0x0  }
0x9d: {  	[sflag:s21] =	ssyncadd.s32 @!p1 $0xFFFFF800;
	s23 =	sadd.s32 s15, s23  }
0x9e: {  	[tilespmem:s0], [sflag:$0x4] =	stream.linear.gather [hbm4b:s23+s4], $0x100, $0x38;
	[tilespmem:$0x1FCC0] =	vst v63  }
0x9f: {  	_ =	swait.ge [sflag:s3], $0x100  }
0xa0: {  	[sflag:s3] =	ssyncset.done $0x0  }
0xa1: {  	[sflag:s3] =	ssyncadd.s32 $0xFFFFFF00  }
0xa2: {  	[tilespmem:s7], [sflag:$0x6] =	stream.indirect.gather [hbm4b:s5+s29], $0x80, s25, s29, $0xb8;
	[tilespmem:$0x1FCC0] =	vst v63  }
0xa3: {  	_ =	swait.ge [sflag:s8], $0x4000  }
0xa4: {  	[sflag:s8] =	ssyncset.done $0x0  }
0xa5: {  	[sflag:s8] =	ssyncadd.s32 $0xFFFFC000  }
0xa6: {  	[spmem:s1] =	stream.indirect.scatter.add.f32 [tilespmem:s7], [sflag:$0x8], $0x80, s9, s29, $0xb8;
	[tilespmem:$0x1FCC0] =	vst v63  }
0xa7: {  	_ = 	snop  }
0xa8: {  	[spmem:s2] =	stream.indirect.scatter.add.f32 [tilespmem:s24], [sflag:$0xA], $0x10, s9, s29, $0xb8;
	[tilespmem:$0x1FCC0] =	vst v63  }
0xa9: {  	_ =	swait.ge [sflag:s11], $0x4000  }
0xaa: {  	s10 =	smov.u32 s22;
	[sflag:s11] =	ssyncset.done $0x0  }
0xab: {  	p3 =	seq.s32 s10, $0x0;
	[sflag:s11] =	ssyncadd.s32 $0xFFFFC000  }
0xac: {  	p1 =	por p3, p3;
	p3 =	seq.s32 s15, $0x1300;
	_ =	swait.ge [sflag:s12], $0x800  }
0xad: {  	s21 =	sshrl.u32 @!p3 s20, $0x3;
	[sflag:s12] =	ssyncset.done $0x0  }
0xae: {  	s23 =	simm.s32 @!p3 $0x0;
	s21 =	sadd.s32 @!p3 s6, s21;
	[sflag:s12] =	ssyncadd.s32 $0xFFFFF800  }
0xaf: {  	[tilespmem:s23], [sflag:$0x1] =	stream.linear.gather @!p3 [hbm4b:s21+s23], $0x100, $0x38;
	[tilespmem:$0x1FCC0] =	vst v63  }
0xb0: {  	_ =	swait.ge [sflag:s13], $0x100  }
0xb1: {  	[sflag:s13] =	ssyncset.done $0x0  }
0xb2: {  	[sflag:s13] =	ssyncadd.s32 $0xFFFFFF00  }
0xb3: {  	[tilespmem:s30], [sflag:$0x5] =	stream.indirect.gather [hbm4b:s5+s29], $0x80, s26, s29, $0xb8;
	[tilespmem:$0x1FCC0] =	vst v63  }
0xb4: {  	_ =	swait.ge [sflag:s31], $0x4000  }
0xb5: {  	[sflag:s31] =	ssyncset.done $0x0  }
0xb6: {  	[sflag:s31] =	ssyncadd.s32 $0xFFFFC000  }
0xb7: {  	[spmem:s1] =	stream.indirect.scatter.add.f32 [tilespmem:s30], [sflag:$0x7], $0x80, s14, s29, $0xb8;
	[tilespmem:$0x1FCC0] =	vst v63  }
0xb8: {  	_ = 	snop  }
0xb9: {  	[spmem:s2] =	stream.indirect.scatter.add.f32 [tilespmem:s24], [sflag:$0x9], $0x10, s14, s29, $0xb8;
	[tilespmem:$0x1FCC0] =	vst v63  }
0xba: {  	_ =	swait.ge [sflag:s16], $0x4000  }
0xbb: {  	[sflag:s16] =	ssyncset.done $0x0  }
0xbc: {  	[sflag:s16] =	ssyncadd.s32 $0xFFFFC000  }
0xbd: {  	_ =	swait.ge [sflag:s17], $0x800  }
0xbe: {  	s21 =	rddreg [dreg:$0x4];
	[sflag:s17] =	ssyncset.done $0x0  }
0xbf: {  	[sflag:s17] =	ssyncadd.s32 $0xFFFFF800;
	s15 =	sadd.s32 @!p3 s15, s21;
	s21 =	simm.s32 @!p3 $0x100  }
0xc0: {  	[tilespmem:s21], [sflag:$0x2] =	stream.linear.gather @!p3 [hbm4b:s15+s23], $0x100, $0x38;
	[tilespmem:$0x1FCC0] =	vst v63  }
0xc1: {  	_ =	swait.ge [sflag:s18], $0x100  }
0xc2: {  	s22 =	sadd.s32 $0x80, s22;
	[sflag:s18] =	ssyncset.done $0x0  }
0xc3: {  	p2 =	sne.s32 s22, $0x1380;
	[sflag:s18] =	ssyncadd.s32 $0xFFFFFF00  }
0xc4: {  	[tilespmem:s7], [sflag:$0x6] =	stream.indirect.gather [hbm4b:s5+s29], $0x80, s0, s29, $0xb8;
	[tilespmem:$0x1FCC0] =	vst v63  }
.Ltmp0:
0xc5: {  	_ = 	snop;
	(pc) =	sbr.rel @p2 .LBB2_2-.Ltmp0, $4  }
0xc6: {  	_ =	swait.ge [sflag:s8], $0x4000  }
0xc7: {  	[sflag:s8] =	ssyncset.done $0x0  }
0xc8: {  	s20 =	sadd.s32 $0x400, s20;
	s15 =	smov.u32 s10;
	[sflag:s8] =	ssyncadd.s32 $0xFFFFC000  }
0xc9: {  	[spmem:s1] =	stream.indirect.scatter.add.f32 [tilespmem:s7], [sflag:$0x8], $0x80, s19, s29, $0xb8;
	[tilespmem:$0x1FCC0] =	vst v63  }
0xca: {  	[spmem:s2] =	stream.indirect.scatter.add.f32 [tilespmem:s24], [sflag:$0xA], $0x10, s19, s29, $0xb8;
	[tilespmem:$0x1FCC0] =	vst v63  }
0xcb: {  	s10 =	simm.s32 @!p1 $0x7  }
0xcc: {  	_ =	swait.ge @!p1 [sflag:s10], $0x4000  }
0xcd: {  	[sflag:s10] =	ssyncset.done @!p1 $0x0  }
0xce: {  	[sflag:s10] =	ssyncadd.s32 @!p1 $0xFFFFC000;
	s10 =	simm.s32 @!p1 $0x9  }
0xcf: {  	_ =	swait.ge @!p1 [sflag:s10], $0x800  }
0xd0: {  	s21 =	rddreg [dreg:$0x6];
	[sflag:s10] =	ssyncset.done @!p1 $0x0  }
0xd1: {  	[sflag:s10] =	ssyncadd.s32 @!p1 $0xFFFFF800;
	s21 =	sadd.s32 s15, s21  }
0xd2: {  	[tilespmem:s26], [sflag:$0x3] =	stream.linear.gather [hbm4b:s21+s4], $0x100, $0x38;
	[tilespmem:$0x1FCC0] =	vst v63  }
0xd3: {  	_ =	swait.ge [sflag:s28], $0x100  }
0xd4: {  	[sflag:s28] =	ssyncset.done $0x0  }
0xd5: {  	[sflag:s28] =	ssyncadd.s32 $0xFFFFFF00  }
0xd6: {  	[tilespmem:s30], [sflag:$0x5] =	stream.indirect.gather [hbm4b:s5+s29], $0x80, s4, s29, $0xb8;
	[tilespmem:$0x1FCC0] =	vst v63  }
0xd7: {  	_ =	swait.ge [sflag:s31], $0x4000  }
0xd8: {  	[sflag:s31] =	ssyncset.done $0x0  }
0xd9: {  	[sflag:s31] =	ssyncadd.s32 $0xFFFFC000  }
0xda: {  	[spmem:s1] =	stream.indirect.scatter.add.f32 [tilespmem:s30], [sflag:$0x7], $0x80, s29, s29, $0xb8;
	[tilespmem:$0x1FCC0] =	vst v63  }
0xdb: {  	s10 =	simm.s32 @!p1 $0x8  }
0xdc: {  	[spmem:s2] =	stream.indirect.scatter.add.f32 [tilespmem:s24], [sflag:$0x9], $0x10, s29, s29, $0xb8;
	[tilespmem:$0x1FCC0] =	vst v63  }
0xdd: {  	_ =	swait.ge @!p1 [sflag:s10], $0x4000  }
0xde: {  	[sflag:s10] =	ssyncset.done @!p1 $0x0  }
0xdf: {  	[sflag:s10] =	ssyncadd.s32 @!p1 $0xFFFFC000;
	s10 =	simm.s32 @!p1 $0xA  }
0xe0: {  	_ =	swait.ge @!p1 [sflag:s10], $0x800  }
0xe1: {  	s22 =	rddreg [dreg:$0x5];
	[sflag:s10] =	ssyncset.done @!p1 $0x0  }
0xe2: {  	[sflag:s10] =	ssyncadd.s32 @!p1 $0xFFFFF800;
	s23 =	sadd.s32 s15, s22  }
0xe3: {  	[tilespmem:s0], [sflag:$0x4] =	stream.linear.gather [hbm4b:s23+s4], $0x100, $0x38;
	[tilespmem:$0x1FCC0] =	vst v63  }
0xe4: {  	_ =	swait.ge [sflag:s3], $0x100  }
0xe5: {  	[sflag:s3] =	ssyncset.done $0x0  }
0xe6: {  	[sflag:s3] =	ssyncadd.s32 $0xFFFFFF00  }
0xe7: {  	[tilespmem:s7], [sflag:$0x6] =	stream.indirect.gather [hbm4b:s5+s29], $0x80, s25, s29, $0xb8;
	[tilespmem:$0x1FCC0] =	vst v63  }
0xe8: {  	_ =	swait.ge [sflag:s8], $0x4000  }
0xe9: {  	[sflag:s8] =	ssyncset.done $0x0  }
0xea: {  	[sflag:s8] =	ssyncadd.s32 $0xFFFFC000  }
0xeb: {  	[spmem:s1] =	stream.indirect.scatter.add.f32 [tilespmem:s7], [sflag:$0x8], $0x80, s9, s29, $0xb8;
	[tilespmem:$0x1FCC0] =	vst v63  }
0xec: {  	_ = 	snop  }
0xed: {  	[spmem:s2] =	stream.indirect.scatter.add.f32 [tilespmem:s24], [sflag:$0xA], $0x10, s9, s29, $0xb8;
	[tilespmem:$0x1FCC0] =	vst v63  }
0xee: {  	_ =	swait.ge [sflag:s11], $0x4000  }
0xef: {  	[sflag:s11] =	ssyncset.done $0x0  }
0xf0: {  	[sflag:s11] =	ssyncadd.s32 $0xFFFFC000  }
0xf1: {  	p1 =	seq.s32 s15, $0x1300;
	_ =	swait.ge [sflag:s12], $0x800  }
0xf2: {  	s10 =	sshrl.u32 @!p1 s20, $0x3;
	[sflag:s12] =	ssyncset.done $0x0  }
0xf3: {  	s20 =	simm.s32 @!p1 $0x0;
	s10 =	sadd.s32 @!p1 s6, s10;
	[sflag:s12] =	ssyncadd.s32 $0xFFFFF800  }
0xf4: {  	[tilespmem:s20], [sflag:$0x1] =	stream.linear.gather @!p1 [hbm4b:s10+s20], $0x100, $0x38;
	[tilespmem:$0x1FCC0] =	vst v63  }
0xf5: {  	_ =	swait.ge [sflag:s13], $0x100  }
0xf6: {  	[sflag:s13] =	ssyncset.done $0x0  }
0xf7: {  	[sflag:s13] =	ssyncadd.s32 $0xFFFFFF00  }
0xf8: {  	[tilespmem:s30], [sflag:$0x5] =	stream.indirect.gather [hbm4b:s5+s29], $0x80, s26, s29, $0xb8;
	[tilespmem:$0x1FCC0] =	vst v63  }
0xf9: {  	_ =	swait.ge [sflag:s31], $0x4000  }
0xfa: {  	[sflag:s31] =	ssyncset.done $0x0  }
0xfb: {  	[sflag:s31] =	ssyncadd.s32 $0xFFFFC000  }
0xfc: {  	[spmem:s1] =	stream.indirect.scatter.add.f32 [tilespmem:s30], [sflag:$0x7], $0x80, s14, s29, $0xb8;
	[tilespmem:$0x1FCC0] =	vst v63  }
0xfd: {  	_ = 	snop  }
0xfe: {  	[spmem:s2] =	stream.indirect.scatter.add.f32 [tilespmem:s24], [sflag:$0x9], $0x10, s14, s29, $0xb8;
	[tilespmem:$0x1FCC0] =	vst v63  }
0xff: {  	_ =	swait.ge [sflag:s16], $0x4000  }
0x100: {  	[sflag:s16] =	ssyncset.done $0x0  }
0x101: {  	[sflag:s16] =	ssyncadd.s32 $0xFFFFC000  }
0x102: {  	_ =	swait.ge [sflag:s17], $0x800  }
0x103: {  	s10 =	rddreg [dreg:$0x4];
	[sflag:s17] =	ssyncset.done $0x0  }
0x104: {  	[sflag:s17] =	ssyncadd.s32 $0xFFFFF800;
	s10 =	sadd.s32 @!p1 s15, s10;
	s15 =	simm.s32 @!p1 $0x100  }
0x105: {  	[tilespmem:s15], [sflag:$0x2] =	stream.linear.gather @!p1 [hbm4b:s10+s20], $0x100, $0x38;
	[tilespmem:$0x1FCC0] =	vst v63  }
0x106: {  	_ =	swait.ge [sflag:s18], $0x100  }
0x107: {  	[sflag:s18] =	ssyncset.done $0x0  }
0x108: {  	[sflag:s18] =	ssyncadd.s32 $0xFFFFFF00  }
0x109: {  	[tilespmem:s7], [sflag:$0x6] =	stream.indirect.gather [hbm4b:s5+s29], $0x80, s0, s29, $0xb8;
	[tilespmem:$0x1FCC0] =	vst v63  }
0x10a: {  	_ =	swait.ge [sflag:s8], $0x4000  }
0x10b: {  	[sflag:s8] =	ssyncset.done $0x0  }
0x10c: {  	[sflag:s8] =	ssyncadd.s32 $0xFFFFC000  }
0x10d: {  	[spmem:s1] =	stream.indirect.scatter.add.f32 [tilespmem:s7], [sflag:$0x8], $0x80, s19, s29, $0xb8;
	[tilespmem:$0x1FCC0] =	vst v63  }
0x10e: {  	_ = 	snop  }
0x10f: {  	[spmem:s2] =	stream.indirect.scatter.add.f32 [tilespmem:s24], [sflag:$0xA], $0x10, s19, s29, $0xb8;
	[tilespmem:$0x1FCC0] =	vst v63  }
0x110: {  	_ =	swait.ge [sflag:s11], $0x4000  }
0x111: {  	[sflag:s11] =	ssyncset.done $0x0  }
0x112: {  	[sflag:s11] =	ssyncadd.s32 $0xFFFFC000  }
0x113: {  	_ =	swait.ge [sflag:s12], $0x800  }
0x114: {  	[sflag:s12] =	ssyncset.done $0x0  }
0x115: {  	[sflag:s12] =	ssyncadd.s32 $0xFFFFF800  }
0x116: {  	_ =	swait.ge [sflag:s16], $0x4000  }
0x117: {  	[sflag:s16] =	ssyncset.done $0x0  }
0x118: {  	[sflag:s16] =	ssyncadd.s32 $0xFFFFC000  }
0x119: {  	_ =	swait.ge [sflag:s17], $0x800  }
0x11a: {  	s21 =	simm.s32 $0x8400;
	[sflag:s17] =	ssyncset.done $0x0  }
0x11b: {  	s15 =	simm.s32 $0xB;
	s20 =	rddreg [dreg:$0x11];
	[sflag:s17] =	ssyncadd.s32 $0xFFFFF800  }
0x11c: {  	[tilespmem:s21], [sflag:$0xB] =	stream.linear.gather [hbm4b:s20+s4], $0x40, $0x38;
	[tilespmem:$0x1FCC0] =	vst v63  }
0x11d: {  	_ =	swait.ge [sflag:s15], $0x40  }
0x11e: {  	[sflag:s15] =	ssyncset.done $0x0  }
0x11f: {  	s22 =	simm.s32 $0x8440;
	s10 =	simm.s32 $0x20;
	[sflag:s15] =	ssyncadd.s32 $0xFFFFFFC0  }
0x120: {  	[tilespmem:s22], [sflag:$0x5] =	stream.indirect.gather [hbm4b:s5+s10], $0x80, s21, s10, $0xb8;
	[tilespmem:$0x1FCC0] =	vst v63  }
0x121: {  	_ =	swait.ge [sflag:s31], $0x1000  }
0x122: {  	[sflag:s31] =	ssyncset.done $0x0  }
0x123: {  	s23 =	simm.s32 $0x8420;
	[sflag:s31] =	ssyncadd.s32 $0xFFFFF000  }
0x124: {  	[spmem:s1] =	stream.indirect.scatter.add.f32 [tilespmem:s22], [sflag:$0xB], $0x80, s23, s10, $0xb8;
	[tilespmem:$0x1FCC0] =	vst v63  }
0x125: {  	_ =	swait.ge [sflag:s15], $0x1000  }
0x126: {  	[sflag:s15] =	ssyncset.done $0x0  }
0x127: {  	[sflag:s15] =	ssyncadd.s32 $0xFFFFF000  }
0x128: {  	[spmem:s2] =	stream.indirect.scatter.add.f32 [tilespmem:s24], [sflag:$0xB], $0x10, s23, s10, $0xb8;
	[tilespmem:$0x1FCC0] =	vst v63  }
0x129: {  	_ =	swait.ge [sflag:s15], $0x200  }
0x12a: {  	[sflag:s15] =	ssyncset.done $0x0  }
0x12b: {  	[sflag:s15] =	ssyncadd.s32 $0xFFFFFE00  }
0x12c: {  	[bflag:$0x0] =	sbarrier.arrive $0xFFFF  }
0x12d: {  	s20 =	rddreg [dreg:$0xa]  }
0x12e: {  	s22 =	rddreg [dreg:$0x12]  }
0x12f: {  	s23 =	rddreg [dreg:$0x18]  }
0x130: {  	[hbm:s22], [sflag:s20] =	dma.local [spmem:s23], $0x2700  }
0x131: {  	_ =	swait.ge [sflag:s15], $0x2700  }
0x132: {  	[sflag:s15] =	ssyncset.done $0x0;
	s10 =	rddreg [dreg:$0x13]  }
0x133: {  	s21 =	rddreg [dreg:$0x19];
	[sflag:s15] =	ssyncadd.s32 $0xFFFFD900  }
0x134: {  	[hbm:s10], [sflag:s20] =	dma.local @!p0 [spmem:s21], $0x100  }
0x135: {  	s10 =	simm.s32 @!p0 $0xB  }
0x136: {  	_ =	swait.ge @!p0 [sflag:s10], $0x100  }
0x137: {  	[sflag:s10] =	ssyncset.done @!p0 $0x0;
	s22 =	rddreg [dreg:$0x14]  }
0x138: {  	s23 =	rddreg [dreg:$0x1a];
	[sflag:s10] =	ssyncadd.s32 @!p0 $0xFFFFFF00  }
0x139: {  	[hbm:s22], [sflag:s20] =	dma.local [spmem:s23], $0x500  }
0x13a: {  	_ =	swait.ge [sflag:s15], $0x500  }
0x13b: {  	s22 =	rddreg [dreg:$0x17]  }
0x13c: {  	s23 =	rddreg [dreg:$0x15];
	s21 =	sadd.s32 $0x1, s22  }
0x13d: {  	p1 =	sne.s32 s21, s23  }
.Ltmp1:
0x13e: {  	_ = 	snop;
	(pc) =	sbr.rel @p1 .LBB2_1-.Ltmp1, $3  }
0x13f: {  	_ =	sdelay $0x1  }
0x140: {  	[sflag:s15] =	ssyncset.done $0x0  }
0x141: {  	[sflag:s15] =	ssyncadd.s32 $0xFFFFFB00  }
0x142: {  	_ =	sfence.sel $0x180000  }
0x143: {  	[bflag:$0x0] =	sbarrier.arrive $0xFFFF  }
0x144: {  	_ =	strace $0x90000047  }
0x145: {  	s0 =	stileid.u32;
	[bflag:$0x2] =	sbarrier.arrive $0xFFFF  }
0x146: {  	p0 =	sne.s32 s0, $0x0;
	s0 =	rddreg [dreg:$0x3]  }
0x147: {  	s0 =	sadd.s32 @!p0 $0x100000, s0  }
0x148: {  	[sflag:s0] =	ssyncadd.tile.s32 @!p0 $0x1;
	_ =	shalt  }
.Lfunc_end2:
_tile_overlayer_lowered:
.L_overlay_start_2:
0x149: {  	(tag) =	ssettag $0x2  }
0x14a: {  	s0 =	rddreg [dreg:$0x0];
	s2 =	stileid.u32  }
0x14b: {  	s1 =	rddreg [dreg:$0x1];
	p0 =	sne.s32 s2, $0x0  }
0x14c: {  	s3 =	rddreg [dreg:$0x2];
	[bflag:$0x3] =	sbarrier.arrive $0xFFFF;
	s2 =	simm.s32 @!p0 $0x1C0B  }
0x14d: {  	[timem:s3], [sflag:s2] =	dma.local @!p0 [hbm:s0], s1  }
0x14e: {  	s0 =	simm.s32 @!p0 $0xB  }
0x14f: {  	_ =	swait.ge @!p0 [sflag:s0], s1  }
0x150: {  	s1 =	ssub.s32 @!p0 $0x0, s1;
	[sflag:s0] =	ssyncset.done @!p0 $0x0  }
0x151: {  	[sflag:s0] =	ssyncadd.s32 @!p0 s1  }
0x152: {  	[bflag:$0x3] =	sbarrier.arrive $0xFFFF  }
0x153: {  	_ =	shalt  }

</sc_bundles>
